<compile_context>
chip_gen: v7x
topology: tpu7x:2x2x1
jax: 0.10.2.dev20260603
libtpu: 0.0.44.dev20260713+nightly
codegen_flags: <defaults>
</compile_context>

<pallas_src>
import functools
import math

import jax
import jax.numpy as jnp
from jax import lax
from jax.experimental import pallas as pl
from jax.experimental.pallas import tpu as pltpu
from jax.experimental.pallas import tpu_sc as plsc

T_TOK = 16384
N_GRAPH = 16
D = 4
EMB = 64
NS = 16
CHUNK = T_TOK // NS
GROUPS = CHUNK // 16


def _tc_body(xt_ref, t_ref, fw_ref, linw_ref, linb_ref, vnet_ref,
             b2_ref, pq_ref, ctab_ref):
    a = vnet_ref[pl.ds(0, D), :]
    w2 = vnet_ref[pl.ds(D, EMB), :]
    x0t = xt_ref[pl.ds(0, D), :]
    x1t = xt_ref[pl.ds(D, D), :]
    dxt = x0t - x1t
    dn = (((0,), (0,)), ((), ()))
    pt = lax.dot_general(a, dxt, dn, preferred_element_type=jnp.float32)
    qt = lax.dot_general(a, x1t, dn, preferred_element_type=jnp.float32) - dxt
    pq_ref[pl.ds(0, D), :] = pt
    pq_ref[pl.ds(D, D), :] = qt

    t = t_ref[...]
    proj = t * (fw_ref[...][None, :] * (2.0 * math.pi))
    emb = jnp.concatenate([jnp.sin(proj), jnp.cos(proj)], axis=1)
    temb = jnp.dot(emb, linw_ref[...], preferred_element_type=jnp.float32)
    temb = temb + linb_ref[...][None, :]
    c = jnp.dot(temb, w2, preferred_element_type=jnp.float32)
    c = c + b2_ref[...][None, :]
    ctab_ref[...] = jnp.concatenate(
        [t, c, jnp.zeros((N_GRAPH, 3), jnp.float32)], axis=1)


_tc_call = pl.pallas_call(
    _tc_body,
    out_shape=[jax.ShapeDtypeStruct((2 * D, T_TOK), jnp.float32),
               jax.ShapeDtypeStruct((N_GRAPH, 8), jnp.float32)],
)


def _sc_body(pq_hbm, seg_hbm, ctab_hbm,
             dist_hbm, pw_hbm,
             pqv, segv, ctv, accv, shared, allv, odv, opv, sem):
    sid = lax.axis_index("s")
    base = sid * CHUNK
    cps = [pltpu.async_copy(pq_hbm.at[:, pl.ds(base, CHUNK)], pqv, sem),
           pltpu.async_copy(seg_hbm.at[pl.ds(base, CHUNK)], segv, sem),
           pltpu.async_copy(ctab_hbm, ctv, sem)]
    for cp in cps:
        cp.wait()

    iota = lax.iota(jnp.int32, 16)
    col0 = iota >> 4

    def group(j):
        seg = segv[pl.ds(j * 16, 16)]
        tv = plsc.load_gather(ctv, [seg, col0])
        out = []
        for d in range(D):
            cd = plsc.load_gather(ctv, [seg, col0 + (1 + d)])
            p = pqv[d, pl.ds(j * 16, 16)]
            q = pqv[D + d, pl.ds(j * 16, 16)]
            diff = tv * p + (q + cd)
            out.append(diff * diff)
        return tuple(out)

    def body(j, carry):
        g = group(j)
        return tuple(carry[d] + g[d] for d in range(D))

    acc = lax.fori_loop(1, GROUPS, body, group(0))

    for d in range(D):
        accv[pl.ds(d * 16, 16)] = acc[d]
    pltpu.sync_copy(accv, shared.at[pl.ds(sid * 64, 64)])
    plsc.subcore_barrier()

    @pl.when(sid == 0)
    def _():
        pltpu.sync_copy(shared, allv)

        def rbody(r, carry):
            return tuple(carry[d] + allv[pl.ds(r * 64 + d * 16, 16)]
                         for d in range(D))

        tot = lax.fori_loop(1, NS, rbody,
                            tuple(allv[pl.ds(d * 16, 16)] for d in range(D)))
        scale = 1.0 / (2.0 * T_TOK)
        s = [jnp.sum(tot[d]) * scale for d in range(D)]
        m = [((iota + 1) == (d + 1)).astype(jnp.float32) for d in range(D)]
        pw = m[0] * s[0] + m[1] * s[1] + m[2] * s[2] + m[3] * s[3]
        dist = (s[0] + s[1] + s[2] + s[3]) * 0.25
        opv[...] = pw
        odv[...] = jnp.broadcast_to(dist, (16,))
        pltpu.sync_copy(opv, pw_hbm)
        pltpu.sync_copy(odv, dist_hbm)


_sc_call = functools.partial(
    pl.kernel,
    out_type=[jax.ShapeDtypeStruct((16,), jnp.float32),
              jax.ShapeDtypeStruct((16,), jnp.float32)],
    mesh=plsc.VectorSubcoreMesh(core_axis_name="c", subcore_axis_name="s",
                                num_cores=1),
    compiler_params=pltpu.CompilerParams(needs_layout_passes=False),
    scratch_types=[
        pltpu.VMEM((2 * D, CHUNK), jnp.float32),
        pltpu.VMEM((CHUNK,), jnp.int32),
        pltpu.VMEM((N_GRAPH, 8), jnp.float32),
        pltpu.VMEM((64,), jnp.float32),
        pltpu.VMEM_SHARED((NS * 64,), jnp.float32),
        pltpu.VMEM((NS * 64,), jnp.float32),
        pltpu.VMEM((16,), jnp.float32),
        pltpu.VMEM((16,), jnp.float32),
        pltpu.SemaphoreType.DMA,
    ],
)(_sc_body)


def kernel(x0, x1, t_graph, seg_ids, fourier_W, lin_W, lin_b, vnet_W, vnet_b):
    xt = jnp.concatenate([x0.T, x1.T], axis=0)
    pq, ctab = _tc_call(xt, t_graph, fourier_W, lin_W, lin_b, vnet_W, vnet_b)
    dist, pw = _sc_call(pq, seg_ids, ctab)
    return dist[0], pw[:D]

# --- scband reference (transcript-rebuilt; emitter-appended) ---
"""Pipeline reference for scband-cfm-4363686773506 (READ-ONLY COPY).

The authoritative reference and input builder live on the scoring server;
editing this copy changes nothing except your own understanding.
"""

import jax, jax.numpy as jnp
import numpy as np

EMBED_T_DIM = 64
EMBED_T_SCALE = 30.0
T_TOK = 16384
N_GRAPH = 16
D = 4


def setup_inputs(seed: int = 0) -> dict:
    key = jax.random.key(seed)
    ks = jax.random.split(key, 9)
    x0 = jax.random.normal(ks[0], (T_TOK, D), dtype=jnp.float32)
    x1 = jax.random.normal(ks[1], (T_TOK, D), dtype=jnp.float32)
    t_graph = jax.random.uniform(ks[2], (N_GRAPH, 1), dtype=jnp.float32)
    seg_ids = jnp.sort(jax.random.randint(ks[3], (T_TOK,), 0, N_GRAPH, dtype=jnp.int32))
    # GaussianFourierProjection weights (fixed random, scale=embed_t_scale)
    fourier_W = jax.random.normal(ks[4], (EMBED_T_DIM // 2,), dtype=jnp.float32) * EMBED_T_SCALE
    lin_W = jax.random.normal(ks[5], (EMBED_T_DIM, EMBED_T_DIM), dtype=jnp.float32) * 0.02
    lin_b = jnp.zeros((EMBED_T_DIM,), dtype=jnp.float32)
    vnet_W = jax.random.normal(ks[6], (D + EMBED_T_DIM, D), dtype=jnp.float32) * 0.02
    vnet_b = jnp.zeros((D,), dtype=jnp.float32)
    return {"x0": x0, "x1": x1, "t_graph": t_graph, "seg_ids": seg_ids,
            "fourier_W": fourier_W, "lin_W": lin_W, "lin_b": lin_b,
            "vnet_W": vnet_W, "vnet_b": vnet_b}


def reference(x0, x1, t_graph, seg_ids, fourier_W, lin_W, lin_b, vnet_W, vnet_b):
    # --- batch_loss core (add_jet=False, ot=False, self_condition_prob=0, add_mass=False) ---
    # t = torch.repeat_interleave(t, ptr.diff()) is equivalent to a ragged gather by segment id
    t = jnp.take(t_graph, seg_ids, axis=0)  # (T_TOK, 1)
    # BaseGeometry.get_trajectory: linear interpolation base->target
    xt = (1.0 - t) * x1 + t * x0
    vt = x0 - x1
    # t_embedding = GaussianFourierProjection + Linear
    proj = t * fourier_W[None, :] * 2.0 * jnp.pi  # (T_TOK, EMBED_T_DIM//2)
    emb = jnp.concatenate([jnp.sin(proj), jnp.cos(proj)], axis=-1)  # (T_TOK, EMBED_T_DIM)
    t_emb = emb @ lin_W + lin_b
    # get_velocity: velocity head conditioned on (xt, t_emb)
    h = jnp.concatenate([xt, t_emb], axis=-1)  # (T_TOK, D + EMBED_T_DIM)
    vp = h @ vnet_W + vnet_b  # (T_TOK, D)
    # geometry.get_metric: mean squared distance / 2
    diff = vp - vt
    distance = 0.5 * jnp.mean(diff ** 2)
    distance_particlewise = jnp.mean(diff ** 2, axis=0) / 2.0
    return distance, distance_particlewise


if False:  # reference __main__ guard neutralized (emitter)
    out = reference(**setup_inputs())
    print(out[0], out[1].shape)

if __name__ == "__main__":
    import jax
    _d = setup_inputs()
    print(jax.jit(kernel)(*tuple(_d.values())))

</pallas_src>

<mosaic_0001>
#map = affine_map<(d0, d1) -> (0, 0)>
#map1 = affine_map<(d0, d1) -> (0)>
module attributes {stable_mosaic.version = 14 : i64} {
  func.func @_sc_body(%arg0: i32, %arg1: i32, %arg2: memref<8x16384xf32, #tpu.memory_space<hbm>>, %arg3: memref<16384xi32, #tpu.memory_space<hbm>>, %arg4: memref<16x8xf32, #tpu.memory_space<hbm>>, %arg5: memref<16xf32, #tpu.memory_space<hbm>>, %arg6: memref<16xf32, #tpu.memory_space<hbm>>, %arg7: memref<8x1024xf32, #tpu.memory_space<vmem>>, %arg8: memref<1024xi32, #tpu.memory_space<vmem>>, %arg9: memref<16x8xf32, #tpu.memory_space<vmem>>, %arg10: memref<64xf32, #tpu.memory_space<vmem>>, %arg11: memref<1024xf32, #tpu.memory_space<vmem_shared>>, %arg12: memref<1024xf32, #tpu.memory_space<vmem>>, %arg13: memref<16xf32, #tpu.memory_space<vmem>>, %arg14: memref<16xf32, #tpu.memory_space<vmem>>, %arg15: memref<!tpu.dma_semaphore, #tpu.memory_space<semaphore_mem>>) attributes {dimension_semantics = [#tpu.dimension_semantics<core_parallel>, #tpu.dimension_semantics<subcore_parallel>], iteration_bounds = array<i64: 1, 16>, scalar_prefetch = 0 : i64, scratch_operands = 9 : i64, tpu.core_type = #tpu.core_type<sc_vector_subcore>, window_params = [{transform_indices = #map}, {transform_indices = #map1}, {transform_indices = #map}, {transform_indices = #map1}, {transform_indices = #map1}]} {
    %mul3A = arith.constant 1024 : i32
    %mul3A_0 = arith.muli %arg1, %mul3A : i32
    %dma_start3A = arith.constant 0 : i32
    %dma_start3A_1 = tpu.memref_slice %arg2[%dma_start3A, %mul3A_0] : memref<8x16384xf32, #tpu.memory_space<hbm>> -> memref<8x1024xf32, #tpu.memory_space<hbm>>
    %dma_start3A_2 = arith.constant 0 : i32
    %dma_start3A_3 = tpu.memref_slice %arg2[%dma_start3A_2, %mul3A_0] : memref<8x16384xf32, #tpu.memory_space<hbm>> -> memref<8x1024xf32, #tpu.memory_space<hbm>>
    tpu.enqueue_dma source(%dma_start3A_3 : memref<8x1024xf32, #tpu.memory_space<hbm>>) target(%arg7 : memref<8x1024xf32, #tpu.memory_space<vmem>>) target_semaphore(%arg15 : memref<!tpu.dma_semaphore, #tpu.memory_space<semaphore_mem>>)
    %dma_start3A_4 = tpu.memref_slice %arg3[%mul3A_0] : memref<16384xi32, #tpu.memory_space<hbm>> -> memref<1024xi32, #tpu.memory_space<hbm>>
    %dma_start3A_5 = tpu.memref_slice %arg3[%mul3A_0] : memref<16384xi32, #tpu.memory_space<hbm>> -> memref<1024xi32, #tpu.memory_space<hbm>>
    tpu.enqueue_dma source(%dma_start3A_5 : memref<1024xi32, #tpu.memory_space<hbm>>) target(%arg8 : memref<1024xi32, #tpu.memory_space<vmem>>) target_semaphore(%arg15 : memref<!tpu.dma_semaphore, #tpu.memory_space<semaphore_mem>>)
    tpu.enqueue_dma source(%arg4 : memref<16x8xf32, #tpu.memory_space<hbm>>) target(%arg9 : memref<16x8xf32, #tpu.memory_space<vmem>>) target_semaphore(%arg15 : memref<!tpu.dma_semaphore, #tpu.memory_space<semaphore_mem>>)
    %dma_wait3A = arith.constant 0 : i32
    %dma_wait3A_6 = tpu.memref_slice %arg2[%dma_wait3A, %mul3A_0] : memref<8x16384xf32, #tpu.memory_space<hbm>> -> memref<8x1024xf32, #tpu.memory_space<hbm>>
    %dma_wait3A_7 = arith.constant 0 : i32
    %dma_wait3A_8 = tpu.memref_slice %arg2[%dma_wait3A_7, %mul3A_0] : memref<8x16384xf32, #tpu.memory_space<hbm>> -> memref<8x1024xf32, #tpu.memory_space<hbm>>
    tpu.wait_dma2 semaphore(%arg15 : memref<!tpu.dma_semaphore, #tpu.memory_space<semaphore_mem>>) src(%dma_wait3A_8 : memref<8x1024xf32, #tpu.memory_space<hbm>>) dst(%arg7 : memref<8x1024xf32, #tpu.memory_space<vmem>>)
    %dma_wait3A_9 = tpu.memref_slice %arg3[%mul3A_0] : memref<16384xi32, #tpu.memory_space<hbm>> -> memref<1024xi32, #tpu.memory_space<hbm>>
    %dma_wait3A_10 = tpu.memref_slice %arg3[%mul3A_0] : memref<16384xi32, #tpu.memory_space<hbm>> -> memref<1024xi32, #tpu.memory_space<hbm>>
    tpu.wait_dma2 semaphore(%arg15 : memref<!tpu.dma_semaphore, #tpu.memory_space<semaphore_mem>>) src(%dma_wait3A_10 : memref<1024xi32, #tpu.memory_space<hbm>>) dst(%arg8 : memref<1024xi32, #tpu.memory_space<vmem>>)
    tpu.wait_dma2 semaphore(%arg15 : memref<!tpu.dma_semaphore, #tpu.memory_space<semaphore_mem>>) src(%arg4 : memref<16x8xf32, #tpu.memory_space<hbm>>) dst(%arg9 : memref<16x8xf32, #tpu.memory_space<vmem>>)
    %iota3A = tpu.iota {dimensions = array<i32: 0>} : vector<16xi32>
    %shift_right_arithmetic3A = arith.constant 4 : i32
    %shift_right_arithmetic3A_11 = vector.broadcast %shift_right_arithmetic3A : i32 to vector<16xi32>
    %shift_right_arithmetic3A_12 = arith.shrsi %iota3A, %shift_right_arithmetic3A_11 : vector<16xi32>
    %get3A = arith.constant 0 : index
    %get3A_13 = tpu.vector_load %arg8[%get3A] {strides = array<i32>} : memref<1024xi32, #tpu.memory_space<vmem>>, vector<16xi32>,
    %gather3A = tpu.vector_load_idx %arg9[%get3A_13, %shift_right_arithmetic3A_12] : memref<16x8xf32, #tpu.memory_space<vmem>>[vector<16xi32>, vector<16xi32>], vector<16xf32>,
    %add3A = arith.constant 1 : i32
    %add3A_14 = vector.broadcast %add3A : i32 to vector<16xi32>
    %add3A_15 = arith.addi %shift_right_arithmetic3A_12, %add3A_14 : vector<16xi32>
    %gather3A_16 = tpu.vector_load_idx %arg9[%get3A_13, %add3A_15] : memref<16x8xf32, #tpu.memory_space<vmem>>[vector<16xi32>, vector<16xi32>], vector<16xf32>,
    %get3A_17 = arith.constant 0 : i32
    %get3A_18 = arith.index_cast %get3A_17 : i32 to index
    %get3A_19 = arith.constant 0 : index
    %get3A_20 = tpu.vector_load %arg7[%get3A_18, %get3A_19] {strides = array<i32>} : memref<8x1024xf32, #tpu.memory_space<vmem>>, vector<16xf32>,
    %get3A_21 = arith.constant 4 : i32
    %get3A_22 = arith.index_cast %get3A_21 : i32 to index
    %get3A_23 = arith.constant 0 : index
    %get3A_24 = tpu.vector_load %arg7[%get3A_22, %get3A_23] {strides = array<i32>} : memref<8x1024xf32, #tpu.memory_space<vmem>>, vector<16xf32>,
    %mul3A_25 = arith.mulf %gather3A, %get3A_20 : vector<16xf32>
    %add3A_26 = arith.addf %get3A_24, %gather3A_16 : vector<16xf32>
    %add3A_27 = arith.addf %mul3A_25, %add3A_26 : vector<16xf32>
    %mul3A_28 = arith.mulf %add3A_27, %add3A_27 : vector<16xf32>
    %add3A_29 = arith.constant 2 : i32
    %add3A_30 = vector.broadcast %add3A_29 : i32 to vector<16xi32>
    %add3A_31 = arith.addi %shift_right_arithmetic3A_12, %add3A_30 : vector<16xi32>
    %gather3A_32 = tpu.vector_load_idx %arg9[%get3A_13, %add3A_31] : memref<16x8xf32, #tpu.memory_space<vmem>>[vector<16xi32>, vector<16xi32>], vector<16xf32>,
    %get3A_33 = arith.constant 1 : i32
    %get3A_34 = arith.index_cast %get3A_33 : i32 to index
    %get3A_35 = arith.constant 0 : index
    %get3A_36 = tpu.vector_load %arg7[%get3A_34, %get3A_35] {strides = array<i32>} : memref<8x1024xf32, #tpu.memory_space<vmem>>, vector<16xf32>,
    %get3A_37 = arith.constant 5 : i32
    %get3A_38 = arith.index_cast %get3A_37 : i32 to index
    %get3A_39 = arith.constant 0 : index
    %get3A_40 = tpu.vector_load %arg7[%get3A_38, %get3A_39] {strides = array<i32>} : memref<8x1024xf32, #tpu.memory_space<vmem>>, vector<16xf32>,
    %mul3A_41 = arith.mulf %gather3A, %get3A_36 : vector<16xf32>
    %add3A_42 = arith.addf %get3A_40, %gather3A_32 : vector<16xf32>
    %add3A_43 = arith.addf %mul3A_41, %add3A_42 : vector<16xf32>
    %mul3A_44 = arith.mulf %add3A_43, %add3A_43 : vector<16xf32>
    %add3A_45 = arith.constant 3 : i32
    %add3A_46 = vector.broadcast %add3A_45 : i32 to vector<16xi32>
    %add3A_47 = arith.addi %shift_right_arithmetic3A_12, %add3A_46 : vector<16xi32>
    %gather3A_48 = tpu.vector_load_idx %arg9[%get3A_13, %add3A_47] : memref<16x8xf32, #tpu.memory_space<vmem>>[vector<16xi32>, vector<16xi32>], vector<16xf32>,
    %get3A_49 = arith.constant 2 : i32
    %get3A_50 = arith.index_cast %get3A_49 : i32 to index
    %get3A_51 = arith.constant 0 : index
    %get3A_52 = tpu.vector_load %arg7[%get3A_50, %get3A_51] {strides = array<i32>} : memref<8x1024xf32, #tpu.memory_space<vmem>>, vector<16xf32>,
    %get3A_53 = arith.constant 6 : i32
    %get3A_54 = arith.index_cast %get3A_53 : i32 to index
    %get3A_55 = arith.constant 0 : index
    %get3A_56 = tpu.vector_load %arg7[%get3A_54, %get3A_55] {strides = array<i32>} : memref<8x1024xf32, #tpu.memory_space<vmem>>, vector<16xf32>,
    %mul3A_57 = arith.mulf %gather3A, %get3A_52 : vector<16xf32>
    %add3A_58 = arith.addf %get3A_56, %gather3A_48 : vector<16xf32>
    %add3A_59 = arith.addf %mul3A_57, %add3A_58 : vector<16xf32>
    %mul3A_60 = arith.mulf %add3A_59, %add3A_59 : vector<16xf32>
    %add3A_61 = arith.constant 4 : i32
    %add3A_62 = vector.broadcast %add3A_61 : i32 to vector<16xi32>
    %add3A_63 = arith.addi %shift_right_arithmetic3A_12, %add3A_62 : vector<16xi32>
    %gather3A_64 = tpu.vector_load_idx %arg9[%get3A_13, %add3A_63] : memref<16x8xf32, #tpu.memory_space<vmem>>[vector<16xi32>, vector<16xi32>], vector<16xf32>,
    %get3A_65 = arith.constant 3 : i32
    %get3A_66 = arith.index_cast %get3A_65 : i32 to index
    %get3A_67 = arith.constant 0 : index
    %get3A_68 = tpu.vector_load %arg7[%get3A_66, %get3A_67] {strides = array<i32>} : memref<8x1024xf32, #tpu.memory_space<vmem>>, vector<16xf32>,
    %get3A_69 = arith.constant 7 : i32
    %get3A_70 = arith.index_cast %get3A_69 : i32 to index
    %get3A_71 = arith.constant 0 : index
    %get3A_72 = tpu.vector_load %arg7[%get3A_70, %get3A_71] {strides = array<i32>} : memref<8x1024xf32, #tpu.memory_space<vmem>>, vector<16xf32>,
    %mul3A_73 = arith.mulf %gather3A, %get3A_68 : vector<16xf32>
    %add3A_74 = arith.addf %get3A_72, %gather3A_64 : vector<16xf32>
    %add3A_75 = arith.addf %mul3A_73, %add3A_74 : vector<16xf32>
    %mul3A_76 = arith.mulf %add3A_75, %add3A_75 : vector<16xf32>
    %scan3A = arith.constant 1 : i32
    %scan3A_77 = arith.constant 63 : i32
    %scan3A_78 = arith.addi %scan3A, %scan3A_77 : i32
    %scan3A_79 = arith.constant 1 : i32
    %scan3A_80:4 = scf.for %scan3A_93 = %scan3A to %scan3A_78 step %scan3A_79 iter_args(%scan3A_94 = %mul3A_28, %scan3A_95 = %mul3A_44, %scan3A_96 = %mul3A_60, %scan3A_97 = %mul3A_76) -> (vector<16xf32>, vector<16xf32>, vector<16xf32>, vector<16xf32>)  : i32 {
      %mul3A_98 = arith.constant 16 : i32
      %mul3A_99 = arith.muli %scan3A_93, %mul3A_98 : i32
      %get3A_100 = arith.index_cast %mul3A_99 : i32 to index
      %get3A_101 = tpu.vector_load %arg8[%get3A_100] {strides = array<i32>} : memref<1024xi32, #tpu.memory_space<vmem>>, vector<16xi32>,
      %gather3A_102 = tpu.vector_load_idx %arg9[%get3A_101, %shift_right_arithmetic3A_12] : memref<16x8xf32, #tpu.memory_space<vmem>>[vector<16xi32>, vector<16xi32>], vector<16xf32>,
      %add3A_103 = arith.constant 1 : i32
      %add3A_104 = vector.broadcast %add3A_103 : i32 to vector<16xi32>
      %add3A_105 = arith.addi %shift_right_arithmetic3A_12, %add3A_104 : vector<16xi32>
      %gather3A_106 = tpu.vector_load_idx %arg9[%get3A_101, %add3A_105] : memref<16x8xf32, #tpu.memory_space<vmem>>[vector<16xi32>, vector<16xi32>], vector<16xf32>,
      %mul3A_107 = arith.constant 16 : i32
      %mul3A_108 = arith.muli %scan3A_93, %mul3A_107 : i32
      %get3A_109 = arith.constant 0 : i32
      %get3A_110 = arith.index_cast %get3A_109 : i32 to index
      %get3A_111 = arith.index_cast %mul3A_108 : i32 to index
      %get3A_112 = tpu.vector_load %arg7[%get3A_110, %get3A_111] {strides = array<i32>} : memref<8x1024xf32, #tpu.memory_space<vmem>>, vector<16xf32>,
      %mul3A_113 = arith.constant 16 : i32
      %mul3A_114 = arith.muli %scan3A_93, %mul3A_113 : i32
      %get3A_115 = arith.constant 4 : i32
      %get3A_116 = arith.index_cast %get3A_115 : i32 to index
      %get3A_117 = arith.index_cast %mul3A_114 : i32 to index
      %get3A_118 = tpu.vector_load %arg7[%get3A_116, %get3A_117] {strides = array<i32>} : memref<8x1024xf32, #tpu.memory_space<vmem>>, vector<16xf32>,
      %mul3A_119 = arith.mulf %gather3A_102, %get3A_112 : vector<16xf32>
      %add3A_120 = arith.addf %get3A_118, %gather3A_106 : vector<16xf32>
      %add3A_121 = arith.addf %mul3A_119, %add3A_120 : vector<16xf32>
      %mul3A_122 = arith.mulf %add3A_121, %add3A_121 : vector<16xf32>
      %add3A_123 = arith.constant 2 : i32
      %add3A_124 = vector.broadcast %add3A_123 : i32 to vector<16xi32>
      %add3A_125 = arith.addi %shift_right_arithmetic3A_12, %add3A_124 : vector<16xi32>
      %gather3A_126 = tpu.vector_load_idx %arg9[%get3A_101, %add3A_125] : memref<16x8xf32, #tpu.memory_space<vmem>>[vector<16xi32>, vector<16xi32>], vector<16xf32>,
      %mul3A_127 = arith.constant 16 : i32
      %mul3A_128 = arith.muli %scan3A_93, %mul3A_127 : i32
      %get3A_129 = arith.constant 1 : i32
      %get3A_130 = arith.index_cast %get3A_129 : i32 to index
      %get3A_131 = arith.index_cast %mul3A_128 : i32 to index
      %get3A_132 = tpu.vector_load %arg7[%get3A_130, %get3A_131] {strides = array<i32>} : memref<8x1024xf32, #tpu.memory_space<vmem>>, vector<16xf32>,
      %mul3A_133 = arith.constant 16 : i32
      %mul3A_134 = arith.muli %scan3A_93, %mul3A_133 : i32
      %get3A_135 = arith.constant 5 : i32
      %get3A_136 = arith.index_cast %get3A_135 : i32 to index
      %get3A_137 = arith.index_cast %mul3A_134 : i32 to index
      %get3A_138 = tpu.vector_load %arg7[%get3A_136, %get3A_137] {strides = array<i32>} : memref<8x1024xf32, #tpu.memory_space<vmem>>, vector<16xf32>,
      %mul3A_139 = arith.mulf %gather3A_102, %get3A_132 : vector<16xf32>
      %add3A_140 = arith.addf %get3A_138, %gather3A_126 : vector<16xf32>
      %add3A_141 = arith.addf %mul3A_139, %add3A_140 : vector<16xf32>
      %mul3A_142 = arith.mulf %add3A_141, %add3A_141 : vector<16xf32>
      %add3A_143 = arith.constant 3 : i32
      %add3A_144 = vector.broadcast %add3A_143 : i32 to vector<16xi32>
      %add3A_145 = arith.addi %shift_right_arithmetic3A_12, %add3A_144 : vector<16xi32>
      %gather3A_146 = tpu.vector_load_idx %arg9[%get3A_101, %add3A_145] : memref<16x8xf32, #tpu.memory_space<vmem>>[vector<16xi32>, vector<16xi32>], vector<16xf32>,
      %mul3A_147 = arith.constant 16 : i32
      %mul3A_148 = arith.muli %scan3A_93, %mul3A_147 : i32
      %get3A_149 = arith.constant 2 : i32
      %get3A_150 = arith.index_cast %get3A_149 : i32 to index
      %get3A_151 = arith.index_cast %mul3A_148 : i32 to index
      %get3A_152 = tpu.vector_load %arg7[%get3A_150, %get3A_151] {strides = array<i32>} : memref<8x1024xf32, #tpu.memory_space<vmem>>, vector<16xf32>,
      %mul3A_153 = arith.constant 16 : i32
      %mul3A_154 = arith.muli %scan3A_93, %mul3A_153 : i32
      %get3A_155 = arith.constant 6 : i32
      %get3A_156 = arith.index_cast %get3A_155 : i32 to index
      %get3A_157 = arith.index_cast %mul3A_154 : i32 to index
      %get3A_158 = tpu.vector_load %arg7[%get3A_156, %get3A_157] {strides = array<i32>} : memref<8x1024xf32, #tpu.memory_space<vmem>>, vector<16xf32>,
      %mul3A_159 = arith.mulf %gather3A_102, %get3A_152 : vector<16xf32>
      %add3A_160 = arith.addf %get3A_158, %gather3A_146 : vector<16xf32>
      %add3A_161 = arith.addf %mul3A_159, %add3A_160 : vector<16xf32>
      %mul3A_162 = arith.mulf %add3A_161, %add3A_161 : vector<16xf32>
      %add3A_163 = arith.constant 4 : i32
      %add3A_164 = vector.broadcast %add3A_163 : i32 to vector<16xi32>
      %add3A_165 = arith.addi %shift_right_arithmetic3A_12, %add3A_164 : vector<16xi32>
      %gather3A_166 = tpu.vector_load_idx %arg9[%get3A_101, %add3A_165] : memref<16x8xf32, #tpu.memory_space<vmem>>[vector<16xi32>, vector<16xi32>], vector<16xf32>,
      %mul3A_167 = arith.constant 16 : i32
      %mul3A_168 = arith.muli %scan3A_93, %mul3A_167 : i32
      %get3A_169 = arith.constant 3 : i32
      %get3A_170 = arith.index_cast %get3A_169 : i32 to index
      %get3A_171 = arith.index_cast %mul3A_168 : i32 to index
      %get3A_172 = tpu.vector_load %arg7[%get3A_170, %get3A_171] {strides = array<i32>} : memref<8x1024xf32, #tpu.memory_space<vmem>>, vector<16xf32>,
      %mul3A_173 = arith.constant 16 : i32
      %mul3A_174 = arith.muli %scan3A_93, %mul3A_173 : i32
      %get3A_175 = arith.constant 7 : i32
      %get3A_176 = arith.index_cast %get3A_175 : i32 to index
      %get3A_177 = arith.index_cast %mul3A_174 : i32 to index
      %get3A_178 = tpu.vector_load %arg7[%get3A_176, %get3A_177] {strides = array<i32>} : memref<8x1024xf32, #tpu.memory_space<vmem>>, vector<16xf32>,
      %mul3A_179 = arith.mulf %gather3A_102, %get3A_172 : vector<16xf32>
      %add3A_180 = arith.addf %get3A_178, %gather3A_166 : vector<16xf32>
      %add3A_181 = arith.addf %mul3A_179, %add3A_180 : vector<16xf32>
      %mul3A_182 = arith.mulf %add3A_181, %add3A_181 : vector<16xf32>
      %add3A_183 = arith.addf %scan3A_94, %mul3A_122 : vector<16xf32>
      %add3A_184 = arith.addf %scan3A_95, %mul3A_142 : vector<16xf32>
      %add3A_185 = arith.addf %scan3A_96, %mul3A_162 : vector<16xf32>
      %add3A_186 = arith.addf %scan3A_97, %mul3A_182 : vector<16xf32>
      scf.yield %add3A_183, %add3A_184, %add3A_185, %add3A_186 : vector<16xf32>, vector<16xf32>, vector<16xf32>, vector<16xf32>
    }
    %scan3A_81 = arith.constant 63 : i32
    %swap3A = arith.constant 0 : index
    %swap3A_82 = tpu.vector_load %arg10[%swap3A] {strides = array<i32>} : memref<64xf32, #tpu.memory_space<vmem>>, vector<16xf32>,
    tpu.vector_store %arg10[%swap3A], %scan3A_80#0 {strides = array<i32>} : memref<64xf32, #tpu.memory_space<vmem>>, vector<16xf32>,
    %swap3A_83 = arith.constant 16 : index
    %swap3A_84 = tpu.vector_load %arg10[%swap3A_83] {strides = array<i32>} : memref<64xf32, #tpu.memory_space<vmem>>, vector<16xf32>,
    tpu.vector_store %arg10[%swap3A_83], %scan3A_80#1 {strides = array<i32>} : memref<64xf32, #tpu.memory_space<vmem>>, vector<16xf32>,
    %swap3A_85 = arith.constant 32 : index
    %swap3A_86 = tpu.vector_load %arg10[%swap3A_85] {strides = array<i32>} : memref<64xf32, #tpu.memory_space<vmem>>, vector<16xf32>,
    tpu.vector_store %arg10[%swap3A_85], %scan3A_80#2 {strides = array<i32>} : memref<64xf32, #tpu.memory_space<vmem>>, vector<16xf32>,
    %swap3A_87 = arith.constant 48 : index
    %swap3A_88 = tpu.vector_load %arg10[%swap3A_87] {strides = array<i32>} : memref<64xf32, #tpu.memory_space<vmem>>, vector<16xf32>,
    tpu.vector_store %arg10[%swap3A_87], %scan3A_80#3 {strides = array<i32>} : memref<64xf32, #tpu.memory_space<vmem>>, vector<16xf32>,
    %mul3A_89 = arith.constant 64 : i32
    %mul3A_90 = arith.muli %arg1, %mul3A_89 : i32
    "tpu.region"() ({
      %run_scoped3A = tpu.sem_alloc : memref<!tpu.dma_semaphore, #tpu.memory_space<semaphore_mem>>
      %dma_start3A_93 = tpu.memref_slice %arg11[%mul3A_90] : memref<1024xf32, #tpu.memory_space<vmem_shared>> -> memref<64xf32, #tpu.memory_space<vmem_shared>>
      %dma_start3A_94 = tpu.memref_slice %arg11[%mul3A_90] : memref<1024xf32, #tpu.memory_space<vmem_shared>> -> memref<64xf32, #tpu.memory_space<vmem_shared>>
      tpu.enqueue_dma source(%arg10 : memref<64xf32, #tpu.memory_space<vmem>>) target(%dma_start3A_94 : memref<64xf32, #tpu.memory_space<vmem_shared>>) target_semaphore(%run_scoped3A : memref<!tpu.dma_semaphore, #tpu.memory_space<semaphore_mem>>)
      %dma_wait3A_95 = tpu.memref_slice %arg11[%mul3A_90] : memref<1024xf32, #tpu.memory_space<vmem_shared>> -> memref<64xf32, #tpu.memory_space<vmem_shared>>
      %dma_wait3A_96 = tpu.memref_slice %arg11[%mul3A_90] : memref<1024xf32, #tpu.memory_space<vmem_shared>> -> memref<64xf32, #tpu.memory_space<vmem_shared>>
      tpu.wait_dma2 semaphore(%run_scoped3A : memref<!tpu.dma_semaphore, #tpu.memory_space<semaphore_mem>>) src(%arg10 : memref<64xf32, #tpu.memory_space<vmem>>) dst(%dma_wait3A_96 : memref<64xf32, #tpu.memory_space<vmem_shared>>)
      tpu.yield
    }) : () -> ()
    %barrier3A = arith.constant 0 : index
    tpu.barrier barrier_id(%barrier3A)
    %eq3A = arith.constant 0 : i32
    %eq3A_91 = arith.cmpi eq, %arg1, %eq3A : i32
    %convert_element_type3A = arith.extui %eq3A_91 : i1 to i32
    %cond3A = arith.constant 0 : i32
    %cond3A_92 = arith.cmpi ne, %convert_element_type3A, %cond3A : i32
    scf.if %cond3A_92 {
      "tpu.region"() ({
        %run_scoped3A = tpu.sem_alloc : memref<!tpu.dma_semaphore, #tpu.memory_space<semaphore_mem>>
        tpu.enqueue_dma source(%arg11 : memref<1024xf32, #tpu.memory_space<vmem_shared>>) target(%arg12 : memref<1024xf32, #tpu.memory_space<vmem>>) target_semaphore(%run_scoped3A : memref<!tpu.dma_semaphore, #tpu.memory_space<semaphore_mem>>)
        tpu.wait_dma2 semaphore(%run_scoped3A : memref<!tpu.dma_semaphore, #tpu.memory_space<semaphore_mem>>) src(%arg11 : memref<1024xf32, #tpu.memory_space<vmem_shared>>) dst(%arg12 : memref<1024xf32, #tpu.memory_space<vmem>>)
        tpu.yield
      }) : () -> ()
      %get3A_93 = arith.constant 0 : index
      %get3A_94 = tpu.vector_load %arg12[%get3A_93] {strides = array<i32>} : memref<1024xf32, #tpu.memory_space<vmem>>, vector<16xf32>,
      %get3A_95 = arith.constant 16 : index
      %get3A_96 = tpu.vector_load %arg12[%get3A_95] {strides = array<i32>} : memref<1024xf32, #tpu.memory_space<vmem>>, vector<16xf32>,
      %get3A_97 = arith.constant 32 : index
      %get3A_98 = tpu.vector_load %arg12[%get3A_97] {strides = array<i32>} : memref<1024xf32, #tpu.memory_space<vmem>>, vector<16xf32>,
      %get3A_99 = arith.constant 48 : index
      %get3A_100 = tpu.vector_load %arg12[%get3A_99] {strides = array<i32>} : memref<1024xf32, #tpu.memory_space<vmem>>, vector<16xf32>,
      %scan3A_101 = arith.constant 1 : i32
      %scan3A_102 = arith.constant 15 : i32
      %scan3A_103 = arith.addi %scan3A_101, %scan3A_102 : i32
      %scan3A_104 = arith.constant 1 : i32
      %scan3A_105:4 = scf.for %scan3A_182 = %scan3A_101 to %scan3A_103 step %scan3A_104 iter_args(%scan3A_183 = %get3A_94, %scan3A_184 = %get3A_96, %scan3A_185 = %get3A_98, %scan3A_186 = %get3A_100) -> (vector<16xf32>, vector<16xf32>, vector<16xf32>, vector<16xf32>)  : i32 {
        %mul3A_187 = arith.constant 64 : i32
        %mul3A_188 = arith.muli %scan3A_182, %mul3A_187 : i32
        %add3A_189 = arith.constant 0 : i32
        %add3A_190 = arith.addi %mul3A_188, %add3A_189 : i32
        %get3A_191 = arith.index_cast %add3A_190 : i32 to index
        %get3A_192 = tpu.vector_load %arg12[%get3A_191] {strides = array<i32>} : memref<1024xf32, #tpu.memory_space<vmem>>, vector<16xf32>,
        %add3A_193 = arith.addf %scan3A_183, %get3A_192 : vector<16xf32>
        %mul3A_194 = arith.constant 64 : i32
        %mul3A_195 = arith.muli %scan3A_182, %mul3A_194 : i32
        %add3A_196 = arith.constant 16 : i32
        %add3A_197 = arith.addi %mul3A_195, %add3A_196 : i32
        %get3A_198 = arith.index_cast %add3A_197 : i32 to index
        %get3A_199 = tpu.vector_load %arg12[%get3A_198] {strides = array<i32>} : memref<1024xf32, #tpu.memory_space<vmem>>, vector<16xf32>,
        %add3A_200 = arith.addf %scan3A_184, %get3A_199 : vector<16xf32>
        %mul3A_201 = arith.constant 64 : i32
        %mul3A_202 = arith.muli %scan3A_182, %mul3A_201 : i32
        %add3A_203 = arith.constant 32 : i32
        %add3A_204 = arith.addi %mul3A_202, %add3A_203 : i32
        %get3A_205 = arith.index_cast %add3A_204 : i32 to index
        %get3A_206 = tpu.vector_load %arg12[%get3A_205] {strides = array<i32>} : memref<1024xf32, #tpu.memory_space<vmem>>, vector<16xf32>,
        %add3A_207 = arith.addf %scan3A_185, %get3A_206 : vector<16xf32>
        %mul3A_208 = arith.constant 64 : i32
        %mul3A_209 = arith.muli %scan3A_182, %mul3A_208 : i32
        %add3A_210 = arith.constant 48 : i32
        %add3A_211 = arith.addi %mul3A_209, %add3A_210 : i32
        %get3A_212 = arith.index_cast %add3A_211 : i32 to index
        %get3A_213 = tpu.vector_load %arg12[%get3A_212] {strides = array<i32>} : memref<1024xf32, #tpu.memory_space<vmem>>, vector<16xf32>,
        %add3A_214 = arith.addf %scan3A_186, %get3A_213 : vector<16xf32>
        scf.yield %add3A_193, %add3A_200, %add3A_207, %add3A_214 : vector<16xf32>, vector<16xf32>, vector<16xf32>, vector<16xf32>
      }
      %scan3A_106 = arith.constant 15 : i32
      %reduce_sum3A = arith.constant true
      %reduce_sum3A_107 = vector.broadcast %reduce_sum3A : i1 to vector<16xi1>
      %reduce_sum3A_108 = tpu.scan <sum>, %scan3A_105#0 masked %reduce_sum3A_107 : vector<16xf32>, vector<16xi1> -> vector<16xf32>
      %reduce_sum3A_109 = vector.extract %reduce_sum3A_108[15] : f32 from vector<16xf32>
      %mul3A_110 = arith.constant 3.05175781E-5 : f32
      %mul3A_111 = arith.mulf %reduce_sum3A_109, %mul3A_110 : f32
      %reduce_sum3A_112 = arith.constant true
      %reduce_sum3A_113 = vector.broadcast %reduce_sum3A_112 : i1 to vector<16xi1>
      %reduce_sum3A_114 = tpu.scan <sum>, %scan3A_105#1 masked %reduce_sum3A_113 : vector<16xf32>, vector<16xi1> -> vector<16xf32>
      %reduce_sum3A_115 = vector.extract %reduce_sum3A_114[15] : f32 from vector<16xf32>
      %mul3A_116 = arith.constant 3.05175781E-5 : f32
      %mul3A_117 = arith.mulf %reduce_sum3A_115, %mul3A_116 : f32
      %reduce_sum3A_118 = arith.constant true
      %reduce_sum3A_119 = vector.broadcast %reduce_sum3A_118 : i1 to vector<16xi1>
      %reduce_sum3A_120 = tpu.scan <sum>, %scan3A_105#2 masked %reduce_sum3A_119 : vector<16xf32>, vector<16xi1> -> vector<16xf32>
      %reduce_sum3A_121 = vector.extract %reduce_sum3A_120[15] : f32 from vector<16xf32>
      %mul3A_122 = arith.constant 3.05175781E-5 : f32
      %mul3A_123 = arith.mulf %reduce_sum3A_121, %mul3A_122 : f32
      %reduce_sum3A_124 = arith.constant true
      %reduce_sum3A_125 = vector.broadcast %reduce_sum3A_124 : i1 to vector<16xi1>
      %reduce_sum3A_126 = tpu.scan <sum>, %scan3A_105#3 masked %reduce_sum3A_125 : vector<16xf32>, vector<16xi1> -> vector<16xf32>
      %reduce_sum3A_127 = vector.extract %reduce_sum3A_126[15] : f32 from vector<16xf32>
      %mul3A_128 = arith.constant 3.05175781E-5 : f32
      %mul3A_129 = arith.mulf %reduce_sum3A_127, %mul3A_128 : f32
      %add3A_130 = arith.constant 1 : i32
      %add3A_131 = vector.broadcast %add3A_130 : i32 to vector<16xi32>
      %add3A_132 = arith.addi %iota3A, %add3A_131 : vector<16xi32>
      %eq3A_133 = arith.constant 1 : i32
      %eq3A_134 = vector.broadcast %eq3A_133 : i32 to vector<16xi32>
      %eq3A_135 = arith.cmpi eq, %add3A_132, %eq3A_134 : vector<16xi32>
      %convert_element_type3A_136 = arith.extui %eq3A_135 : vector<16xi1> to vector<16xi32>
      %convert_element_type3A_137 = arith.sitofp %convert_element_type3A_136 : vector<16xi32> to vector<16xf32>
      %add3A_138 = arith.constant 1 : i32
      %add3A_139 = vector.broadcast %add3A_138 : i32 to vector<16xi32>
      %add3A_140 = arith.addi %iota3A, %add3A_139 : vector<16xi32>
      %eq3A_141 = arith.constant 2 : i32
      %eq3A_142 = vector.broadcast %eq3A_141 : i32 to vector<16xi32>
      %eq3A_143 = arith.cmpi eq, %add3A_140, %eq3A_142 : vector<16xi32>
      %convert_element_type3A_144 = arith.extui %eq3A_143 : vector<16xi1> to vector<16xi32>
      %convert_element_type3A_145 = arith.sitofp %convert_element_type3A_144 : vector<16xi32> to vector<16xf32>
      %add3A_146 = arith.constant 1 : i32
      %add3A_147 = vector.broadcast %add3A_146 : i32 to vector<16xi32>
      %add3A_148 = arith.addi %iota3A, %add3A_147 : vector<16xi32>
      %eq3A_149 = arith.constant 3 : i32
      %eq3A_150 = vector.broadcast %eq3A_149 : i32 to vector<16xi32>
      %eq3A_151 = arith.cmpi eq, %add3A_148, %eq3A_150 : vector<16xi32>
      %convert_element_type3A_152 = arith.extui %eq3A_151 : vector<16xi1> to vector<16xi32>
      %convert_element_type3A_153 = arith.sitofp %convert_element_type3A_152 : vector<16xi32> to vector<16xf32>
      %add3A_154 = arith.constant 1 : i32
      %add3A_155 = vector.broadcast %add3A_154 : i32 to vector<16xi32>
      %add3A_156 = arith.addi %iota3A, %add3A_155 : vector<16xi32>
      %eq3A_157 = arith.constant 4 : i32
      %eq3A_158 = vector.broadcast %eq3A_157 : i32 to vector<16xi32>
      %eq3A_159 = arith.cmpi eq, %add3A_156, %eq3A_158 : vector<16xi32>
      %convert_element_type3A_160 = arith.extui %eq3A_159 : vector<16xi1> to vector<16xi32>
      %convert_element_type3A_161 = arith.sitofp %convert_element_type3A_160 : vector<16xi32> to vector<16xf32>
      %mul3A_162 = vector.broadcast %mul3A_111 : f32 to vector<16xf32>
      %mul3A_163 = arith.mulf %convert_element_type3A_137, %mul3A_162 : vector<16xf32>
      %mul3A_164 = vector.broadcast %mul3A_117 : f32 to vector<16xf32>
      %mul3A_165 = arith.mulf %convert_element_type3A_145, %mul3A_164 : vector<16xf32>
      %add3A_166 = arith.addf %mul3A_163, %mul3A_165 : vector<16xf32>
      %mul3A_167 = vector.broadcast %mul3A_123 : f32 to vector<16xf32>
      %mul3A_168 = arith.mulf %convert_element_type3A_153, %mul3A_167 : vector<16xf32>
      %add3A_169 = arith.addf %add3A_166, %mul3A_168 : vector<16xf32>
      %mul3A_170 = vector.broadcast %mul3A_129 : f32 to vector<16xf32>
      %mul3A_171 = arith.mulf %convert_element_type3A_161, %mul3A_170 : vector<16xf32>
      %add3A_172 = arith.addf %add3A_169, %mul3A_171 : vector<16xf32>
      %add3A_173 = arith.addf %mul3A_111, %mul3A_117 : f32
      %add3A_174 = arith.addf %add3A_173, %mul3A_123 : f32
      %add3A_175 = arith.addf %add3A_174, %mul3A_129 : f32
      %mul3A_176 = arith.constant 2.500000e-01 : f32
      %mul3A_177 = arith.mulf %add3A_175, %mul3A_176 : f32
      %swap3A_178 = arith.constant 0 : index
      %swap3A_179 = tpu.vector_load %arg14[%swap3A_178] {strides = array<i32>} : memref<16xf32, #tpu.memory_space<vmem>>, vector<16xf32>,
      tpu.vector_store %arg14[%swap3A_178], %add3A_172 {strides = array<i32>} : memref<16xf32, #tpu.memory_space<vmem>>, vector<16xf32>,
      %broadcast_in_dim3A = vector.broadcast %mul3A_177 : f32 to vector<16xf32>
      %swap3A_180 = arith.constant 0 : index
      %swap3A_181 = tpu.vector_load %arg13[%swap3A_180] {strides = array<i32>} : memref<16xf32, #tpu.memory_space<vmem>>, vector<16xf32>,
      tpu.vector_store %arg13[%swap3A_180], %broadcast_in_dim3A {strides = array<i32>} : memref<16xf32, #tpu.memory_space<vmem>>, vector<16xf32>,
      "tpu.region"() ({
        %run_scoped3A = tpu.sem_alloc : memref<!tpu.dma_semaphore, #tpu.memory_space<semaphore_mem>>
        tpu.enqueue_dma source(%arg14 : memref<16xf32, #tpu.memory_space<vmem>>) target(%arg6 : memref<16xf32, #tpu.memory_space<hbm>>) target_semaphore(%run_scoped3A : memref<!tpu.dma_semaphore, #tpu.memory_space<semaphore_mem>>)
        tpu.wait_dma2 semaphore(%run_scoped3A : memref<!tpu.dma_semaphore, #tpu.memory_space<semaphore_mem>>) src(%arg14 : memref<16xf32, #tpu.memory_space<vmem>>) dst(%arg6 : memref<16xf32, #tpu.memory_space<hbm>>)
        tpu.yield
      }) : () -> ()
      "tpu.region"() ({
        %run_scoped3A = tpu.sem_alloc : memref<!tpu.dma_semaphore, #tpu.memory_space<semaphore_mem>>
        tpu.enqueue_dma source(%arg13 : memref<16xf32, #tpu.memory_space<vmem>>) target(%arg5 : memref<16xf32, #tpu.memory_space<hbm>>) target_semaphore(%run_scoped3A : memref<!tpu.dma_semaphore, #tpu.memory_space<semaphore_mem>>)
        tpu.wait_dma2 semaphore(%run_scoped3A : memref<!tpu.dma_semaphore, #tpu.memory_space<semaphore_mem>>) src(%arg13 : memref<16xf32, #tpu.memory_space<vmem>>) dst(%arg5 : memref<16xf32, #tpu.memory_space<hbm>>)
        tpu.yield
      }) : () -> ()
    } else {
    }
    return
  }
}

module attributes {stable_mosaic.version = 14 : i64} {
  func.func @_tc_body(%arg0: memref<8x16384xf32, #tpu.memory_space<vmem>>, %arg1: memref<16x1xf32, #tpu.memory_space<vmem>>, %arg2: memref<32xf32, #tpu.memory_space<vmem>>, %arg3: memref<64x64xf32, #tpu.memory_space<vmem>>, %arg4: memref<64xf32, #tpu.memory_space<vmem>>, %arg5: memref<68x4xf32, #tpu.memory_space<vmem>>, %arg6: memref<4xf32, #tpu.memory_space<vmem>>, %arg7: memref<8x16384xf32, #tpu.memory_space<vmem>>, %arg8: memref<16x8xf32, #tpu.memory_space<vmem>>) attributes {dimension_semantics = [], scalar_prefetch = 0 : i64, scratch_operands = 0 : i64, tpu.core_type = #tpu.core_type<tc>} {
    %get3A = arith.constant 0 : index
    %get3A_0 = arith.constant 0 : index
    %get3A_1 = vector.load %arg5[%get3A, %get3A_0] : memref<68x4xf32, #tpu.memory_space<vmem>>, vector<4x4xf32>
    %get3A_2 = arith.constant 4 : index
    %get3A_3 = arith.constant 0 : index
    %get3A_4 = vector.load %arg5[%get3A_2, %get3A_3] : memref<68x4xf32, #tpu.memory_space<vmem>>, vector<64x4xf32>
    %get3A_5 = arith.constant 0 : index
    %get3A_6 = arith.constant 0 : index
    %get3A_7 = vector.load %arg0[%get3A_5, %get3A_6] : memref<8x16384xf32, #tpu.memory_space<vmem>>, vector<4x16384xf32>
    %get3A_8 = arith.constant 4 : index
    %get3A_9 = arith.constant 0 : index
    %get3A_10 = vector.load %arg0[%get3A_8, %get3A_9] : memref<8x16384xf32, #tpu.memory_space<vmem>>, vector<4x16384xf32>
    %sub3A = arith.subf %get3A_7, %get3A_10 : vector<4x16384xf32>
    %dot_general3A = arith.constant dense<0.000000e+00> : vector<4x16384xf32>
    %dot_general3A_11 = tpu.matmul %get3A_1, %sub3A, %dot_general3A {dimension_numbers = #tpu.dot_dimension_numbers<[0], [0], [1], [1], [0, 1, 1, 1], [], []>, transpose_lhs_hint = false} : vector<4x4xf32>, vector<4x16384xf32>, vector<4x16384xf32> -> vector<4x16384xf32>
    %dot_general3A_12 = arith.constant dense<0.000000e+00> : vector<4x16384xf32>
    %dot_general3A_13 = tpu.matmul %get3A_1, %get3A_10, %dot_general3A_12 {dimension_numbers = #tpu.dot_dimension_numbers<[0], [0], [1], [1], [0, 1, 1, 1], [], []>, transpose_lhs_hint = false} : vector<4x4xf32>, vector<4x16384xf32>, vector<4x16384xf32> -> vector<4x16384xf32>
    %sub3A_14 = arith.subf %dot_general3A_13, %sub3A : vector<4x16384xf32>
    %swap3A = arith.constant 0 : index
    %swap3A_15 = arith.constant 0 : index
    %swap3A_16 = vector.load %arg7[%swap3A, %swap3A_15] : memref<8x16384xf32, #tpu.memory_space<vmem>>, vector<4x16384xf32>
    tpu.vector_store %arg7[%swap3A, %swap3A_15], %dot_general3A_11 {strides = array<i32>} : memref<8x16384xf32, #tpu.memory_space<vmem>>, vector<4x16384xf32>,
    %swap3A_17 = arith.constant 4 : index
    %swap3A_18 = arith.constant 0 : index
    %swap3A_19 = vector.load %arg7[%swap3A_17, %swap3A_18] : memref<8x16384xf32, #tpu.memory_space<vmem>>, vector<4x16384xf32>
    tpu.vector_store %arg7[%swap3A_17, %swap3A_18], %sub3A_14 {strides = array<i32>} : memref<8x16384xf32, #tpu.memory_space<vmem>>, vector<4x16384xf32>,
    %get3A_20 = arith.constant 0 : index
    %get3A_21 = arith.constant 0 : index
    %get3A_22 = vector.load %arg1[%get3A_20, %get3A_21] : memref<16x1xf32, #tpu.memory_space<vmem>>, vector<16x1xf32>
    %get3A_23 = arith.constant 0 : index
    %get3A_24 = vector.load %arg2[%get3A_23] : memref<32xf32, #tpu.memory_space<vmem>>, vector<32xf32>
    %broadcast_in_dim3A = vector.shape_cast %get3A_24 : vector<32xf32> to vector<1x32xf32>
    %mul3A = arith.constant 6.28318548 : f32
    %mul3A_25 = vector.broadcast %mul3A : f32 to vector<1x32xf32>
    %mul3A_26 = arith.mulf %broadcast_in_dim3A, %mul3A_25 : vector<1x32xf32>
    %mul3A_27 = vector.broadcast %get3A_22 : vector<16x1xf32> to vector<16x32xf32>
    %mul3A_28 = vector.broadcast %mul3A_26 : vector<1x32xf32> to vector<16x32xf32>
    %mul3A_29 = arith.mulf %mul3A_27, %mul3A_28 : vector<16x32xf32>
    %sin3A = math.sin %mul3A_29 : vector<16x32xf32>
    %cos3A = math.cos %mul3A_29 : vector<16x32xf32>
    %concatenate3A = tpu.concatenate %sin3A, %cos3A in 1 : vector<16x32xf32>, vector<16x32xf32> -> vector<16x64xf32>
    %get3A_30 = arith.constant 0 : index
    %get3A_31 = arith.constant 0 : index
    %get3A_32 = vector.load %arg3[%get3A_30, %get3A_31] : memref<64x64xf32, #tpu.memory_space<vmem>>, vector<64x64xf32>
    %dot_general3A_33 = arith.constant dense<0.000000e+00> : vector<16x64xf32>
    %dot_general3A_34 = tpu.matmul %concatenate3A, %get3A_32, %dot_general3A_33 {dimension_numbers = #tpu.dot_dimension_numbers<[1], [0], [0], [1], [0, 0, 1, 1], [], []>, transpose_lhs_hint = false} : vector<16x64xf32>, vector<64x64xf32>, vector<16x64xf32> -> vector<16x64xf32>
    %get3A_35 = arith.constant 0 : index
    %get3A_36 = vector.load %arg4[%get3A_35] : memref<64xf32, #tpu.memory_space<vmem>>, vector<64xf32>
    %broadcast_in_dim3A_37 = vector.shape_cast %get3A_36 : vector<64xf32> to vector<1x64xf32>
    %add3A = vector.broadcast %broadcast_in_dim3A_37 : vector<1x64xf32> to vector<16x64xf32>
    %add3A_38 = arith.addf %dot_general3A_34, %add3A : vector<16x64xf32>
    %dot_general3A_39 = arith.constant dense<0.000000e+00> : vector<16x4xf32>
    %dot_general3A_40 = tpu.matmul %add3A_38, %get3A_4, %dot_general3A_39 {dimension_numbers = #tpu.dot_dimension_numbers<[1], [0], [0], [1], [0, 0, 1, 1], [], []>, transpose_lhs_hint = false} : vector<16x64xf32>, vector<64x4xf32>, vector<16x4xf32> -> vector<16x4xf32>
    %get3A_41 = arith.constant 0 : index
    %get3A_42 = vector.load %arg6[%get3A_41] : memref<4xf32, #tpu.memory_space<vmem>>, vector<4xf32>
    %broadcast_in_dim3A_43 = vector.shape_cast %get3A_42 : vector<4xf32> to vector<1x4xf32>
    %add3A_44 = vector.broadcast %broadcast_in_dim3A_43 : vector<1x4xf32> to vector<16x4xf32>
    %add3A_45 = arith.addf %dot_general3A_40, %add3A_44 : vector<16x4xf32>
    %broadcast_in_dim3A_46 = arith.constant 0.000000e+00 : f32
    %broadcast_in_dim3A_47 = vector.broadcast %broadcast_in_dim3A_46 : f32 to vector<16x3xf32>
    %concatenate3A_48 = tpu.concatenate %get3A_22, %add3A_45, %broadcast_in_dim3A_47 in 1 : vector<16x1xf32>, vector<16x4xf32>, vector<16x3xf32> -> vector<16x8xf32>
    %swap3A_49 = arith.constant 0 : index
    %swap3A_50 = arith.constant 0 : index
    %swap3A_51 = vector.load %arg8[%swap3A_49, %swap3A_50] : memref<16x8xf32, #tpu.memory_space<vmem>>, vector<16x8xf32>
    tpu.vector_store %arg8[%swap3A_49, %swap3A_50], %concatenate3A_48 {strides = array<i32>} : memref<16x8xf32, #tpu.memory_space<vmem>>, vector<16x8xf32>,
    return
  }
}

</mosaic_0001>

<sc_bundles>
// kernel: kernel.4.cloned.1.call-start
scs
__scs_entry_jumppad:
0x0: {  	(pc) =	sbr.rel $0x88, $3  }
0x1: {  	(tag) =	ssettag $0x0;
	lr =	simm.s32 $0x1  }
0x2: {  	[smem:$0x3F98] =	sst lr;
	_ =	strace $0xD0000000  }
0x3: {  	_ = 	snop  }
0x4: {  	_ = 	snop  }
0x5: {  	_ = 	snop  }
0x6: {  	_ = 	snop  }
0x7: {  	_ = 	snop  }
__scs_overlays_trampoline_lowered:
0x8: {  	[smem:$0x3FA7] =	sst s0  }
0x9: {  	[smem:$0x3FA8] =	sst s1  }
0xa: {  	[smem:$0x3FA9] =	sst s2  }
0xb: {  	[smem:$0x3FAA] =	sst s3  }
0xc: {  	[smem:$0x3FAB] =	sst s4  }
0xd: {  	[smem:$0x3FAC] =	sst s5  }
0xe: {  	[smem:$0x3FAD] =	sst s6  }
0xf: {  	[smem:$0x3FAE] =	sst s7  }
0x10: {  	[smem:$0x3FAF] =	sst s8  }
0x11: {  	[smem:$0x3FB0] =	sst s9;
	s0 =	simm.s32 @!p0 $0x0  }
0x12: {  	s1 =	sld [smem:$0x3F96];
	s0 =	simm.s32 @p0 $0x1  }
0x13: {  	[smem:$0x3FB1] =	sst s0;
	s0 =	simm.s32 @!p1 $0x0  }
0x14: {  	s2 =	sld [smem:$0x3F95];
	s0 =	simm.s32 @p1 $0x1  }
0x15: {  	[smem:$0x3FB2] =	sst s0;
	s0 =	simm.s32 @!p2 $0x0  }
0x16: {  	s3 =	sld [smem:$0x3FDB];
	s0 =	simm.s32 @p2 $0x1  }
0x17: {  	s4 =	simm.s32 $0x1BF5;
	[smem:$0x3FB4] =	sst s0  }
0x18: {  	s0 =	sld [smem:$0x3F97];
	_ =	swait.ge [sflag:s4], $0x0  }
0x19: {  	s7 =	sld [smem:$0x3F98]  }
0x1a: {  	s8 =	sadd.s32 $0xFFFFE003, lr  }
0x1b: {  	s9 =	sadd.s32 $0xFFFFFEF7, lr;
	s5 =	simm.s32 $0xFFFFFFFF;
	p2 =	slt.u32 s8, $0xFFFFF086  }
0x1c: {  	p1 =	slt.u32 s9, $0xF7A;
	s5 =	simm.s32 @!p2 $0x0  }
0x1d: {  	s5 =	simm.s32 @p1 $0x1;
	p0 =	seq.s32 s7, s2  }
0x1e: {  	s7 =	smul.u32 @!p0 $0xF7A, s2;
	p2 =	seq.s32 @!p0 s5, $0x0  }
0x1f: {  	s9 =	smul.u32 $0xF7A, s1;
	s8 =	simm.s32 @!p0 $0x1BF5;
	p2 =	por !p2, p0  }
0x20: {  	[sflag:s8] =	ssyncset.s32 @!p0 $0xFFFFF086;
	s6 =	sadd.s32 @!p0 s3, s7;
	s7 =	simm.s32 @!p0 $0x108  }
0x21: {  	s3 =	sadd.s32 s3, s9;
	s6 =	sadd.s32 @!p0 $0x88, s6;
	s7 =	simm.s32 @p2 $0x1082  }
0x22: {  	[simem:s7], [sflag:s8] =	dma.local @!p0 [hbm:s6], $0xF7A  }
0x23: {  	s9 =	sor.u32 $0xD0000000, s2;
	s6 =	simm.s32 $0x108;
	_ =	swait.ge @!p0 [sflag:s8], $0x0  }
0x24: {  	s3 =	sadd.s32 $0x88, s3;
	s6 =	simm.s32 @!p1 $0x1082;
	[sflag:s4] =	ssyncset.s32 $0xFFFFF086  }
0x25: {  	[simem:s6], [sflag:s4] =	dma.local [hbm:s3], $0xF7A  }
0x26: {  	[smem:$0x3F98] =	sst s1;
	(tag) =	ssettag s2;
	_ =	strace s9  }
0x27: {  	s1 =	sld [smem:$0x3FA8]  }
0x28: {  	s2 =	sld [smem:$0x3FA9]  }
0x29: {  	s4 =	sld [smem:$0x3FAB]  }
0x2a: {  	p0 =	seq.s32 s5, $0x0;
	s5 =	sld [smem:$0x3FAC]  }
0x2b: {  	s6 =	sld [smem:$0x3FAD]  }
0x2c: {  	s7 =	sld [smem:$0x3FAE]  }
0x2d: {  	s3 =	simm.s32 $0x108;
	s8 =	sld [smem:$0x3FAF]  }
0x2e: {  	s3 =	simm.s32 @!p0 $0x1082;
	s9 =	sld [smem:$0x3FB0]  }
0x2f: {  	lr =	sadd.s32 s0, s3;
	s0 =	sld [smem:$0x3FA7]  }
0x30: {  	s3 =	sld [smem:$0x3FAA]  }
0x31: {  	[smem:$0x3FB3] =	sst s10  }
0x32: {  	s10 =	sld [smem:$0x3FB1];
	_ =	sdelay $0x3  }
0x33: {  	p0 =	seq.s32 s10, $0x1;
	s10 =	sld [smem:$0x3FB3];
	_ =	sdelay $0x3  }
0x34: {  	[smem:$0x3FB3] =	sst s10  }
0x35: {  	s10 =	sld [smem:$0x3FB2];
	_ =	sdelay $0x3  }
0x36: {  	p1 =	seq.s32 s10, $0x1;
	s10 =	sld [smem:$0x3FB3];
	_ =	sdelay $0x3  }
0x37: {  	[smem:$0x3FB3] =	sst s10  }
0x38: {  	s10 =	sld [smem:$0x3FB4]  }
0x39: {  	_ = 	snop;
	(pc) =	sbr.ind lr, $3  }
0x3a: {  	_ = 	snop  }
0x3b: {  	_ = 	snop  }
0x3c: {  	p2 =	seq.s32 s10, $0x1;
	s10 =	sld [smem:$0x3FB3]  }
0x3d: {  	_ =	shalt  }
0x3e: {  	_ =	shalt  }
0x3f: {  	_ =	shalt  }
0x40: {  	_ =	shalt  }
0x41: {  	_ =	shalt  }
0x42: {  	_ =	shalt  }
0x43: {  	_ =	shalt  }
0x44: {  	_ =	shalt  }
0x45: {  	_ =	shalt  }
0x46: {  	_ =	shalt  }
0x47: {  	_ =	shalt  }
0x48: {  	_ =	shalt  }
0x49: {  	_ =	shalt  }
0x4a: {  	_ =	shalt  }
0x4b: {  	_ =	shalt  }
0x4c: {  	_ =	shalt  }
0x4d: {  	_ =	shalt  }
0x4e: {  	_ =	shalt  }
0x4f: {  	_ =	shalt  }
0x50: {  	_ =	shalt  }
0x51: {  	_ =	shalt  }
0x52: {  	_ =	shalt  }
0x53: {  	_ =	shalt  }
0x54: {  	_ =	shalt  }
0x55: {  	_ =	shalt  }
0x56: {  	_ =	shalt  }
0x57: {  	_ =	shalt  }
0x58: {  	_ =	shalt  }
0x59: {  	_ =	shalt  }
0x5a: {  	_ =	shalt  }
0x5b: {  	_ =	shalt  }
0x5c: {  	_ =	shalt  }
0x5d: {  	_ =	shalt  }
0x5e: {  	_ =	shalt  }
0x5f: {  	_ =	shalt  }
0x60: {  	_ =	shalt  }
0x61: {  	_ =	shalt  }
0x62: {  	_ =	shalt  }
0x63: {  	_ =	shalt  }
0x64: {  	_ =	shalt  }
0x65: {  	_ =	shalt  }
0x66: {  	_ =	shalt  }
0x67: {  	_ =	shalt  }
0x68: {  	_ =	shalt  }
0x69: {  	_ =	shalt  }
0x6a: {  	_ =	shalt  }
0x6b: {  	_ =	shalt  }
0x6c: {  	_ =	shalt  }
0x6d: {  	_ =	shalt  }
0x6e: {  	_ =	shalt  }
0x6f: {  	_ =	shalt  }
0x70: {  	_ =	shalt  }
0x71: {  	_ =	shalt  }
0x72: {  	_ =	shalt  }
0x73: {  	_ =	shalt  }
0x74: {  	_ =	shalt  }
0x75: {  	_ =	shalt  }
0x76: {  	_ =	shalt  }
0x77: {  	_ =	shalt  }
0x78: {  	_ =	shalt  }
0x79: {  	_ =	shalt  }
0x7a: {  	_ =	shalt  }
0x7b: {  	_ =	shalt  }
0x7c: {  	_ =	shalt  }
0x7d: {  	_ =	shalt  }
0x7e: {  	_ =	shalt  }
0x7f: {  	_ =	shalt  }
0x80: {  	_ =	shalt  }
0x81: {  	_ =	shalt  }
0x82: {  	_ =	shalt  }
0x83: {  	_ =	shalt  }
0x84: {  	_ =	shalt  }
0x85: {  	_ =	shalt  }
0x86: {  	_ =	shalt  }
0x87: {  	_ =	shalt  }
.Lfunc_end0:
.L_simem_size_0:
called_computation_lowered:
.L_overlay_start_0:
0x88: {  	s0 =	sld [smem:$0x3FD9]  }
0x89: {  	s1 =	sld [smem:$0x3FFE];
	_ =	sdelay $0x3  }
0x8a: {  	s0 =	sadd.s32 s1, s0  }
0x8b: {  	[smem:$0x3FBF] =	sst s0  }
0x8c: {  	_ = 	snop  }
0x8d: {  	s0 =	sld [smem:$0x3FD0];
	_ =	sdelay $0x2  }
0x8e: {  	s2 =	simm.s32 $0xA;
	s3 =	simm.s32 $0x10;
	s13 =	sld [smem:$0x3FC6]  }
0x8f: {  	[smem:s3], [sflag:s2] =	dma.local [hbm:s0], $0x1  }
0x90: {  	_ =	swait.eq [sflag:s2], $0x1  }
0x91: {  	[sflag:s2] =	ssyncset.done $0x0  }
0x92: {  	s14 =	sld [smem:$0x10];
	[sflag:s2] =	ssyncadd.s32 $0xFFFFFFFF  }
0x93: {  	s15 =	sld [smem:$0x11];
	(tm) =	ssettm $0x1  }
0x94: {  	s16 =	sld [smem:$0x3FFB];
	_ =	sdelay $0x3  }
0x95: {  	_ =	strace s16  }
0x96: {  	s3 =	sld [smem:$0x3FFC];
	_ =	sdelay $0x3  }
0x97: {  	_ =	strace s3  }
0x98: {  	s3 =	sld [smem:$0x3FFD];
	_ =	sdelay $0x3  }
0x99: {  	_ =	strace s3  }
0x9a: {  	_ =	strace $0x8FFFFFFF  }
0x9b: {  	s17 =	sld [smem:$0x3FDB];
	_ =	sdelay $0x1  }
0x9c: {  	s4 =	simm.s32 $_scs_section_size  }
0x9d: {  	s5 =	simm.s32 $_size__tile_overlayer_lowered;
	s6 =	simm.s32 $_tile_overlayer_lowered  }
0x9e: {  	s20 =	simm.s32 $0x1BFF;
	s19 =	sshll.u32 s6, $0x1;
	s3 =	sadd.s32 s4, s17  }
0x9f: {  	s7 =	simm.s32 $0x0;
	s18 =	sshll.u32 s5, $0x1;
	s5 =	sadd.s32 s19, s3  }
0xa0: {  	[timem:s7], [sflag:s20] =	dma.local [hbm:s5], s18  }
0xa1: {  	_ =	swait.ge [sflag:s20], s18  }
0xa2: {  	s4 =	ssub.s32 $0x0, s18;
	[sflag:s20] =	ssyncset.done $0x0  }
0xa3: {  	[sflag:s20] =	ssyncadd.s32 s4;
	_ =	sdelay $0x1  }
0xa4: {  	s21 =	simm.s32 $0x1B8B  }
0xa5: {  	_ =	swait.ge [sflag:s21], $0x1  }
0xa6: {  	[sflag:s21] =	ssyncset.done $0x0  }
0xa7: {  	s23 =	simm.s32 $0x1B8E;
	s22 =	sld [smem:$0x3FFE];
	[sflag:s21] =	ssyncadd.s32 $0xFFFFFFFF  }
0xa8: {  	s24 =	simm.s32 $execute0_lowered;
	[smem:$0x3FD2] =	sst s23  }
0xa9: {  	s5 =	sshll.u32 s24, $0x1;
	_ =	strace $0x80000046;
	[dreg:$0x1] =	wrdreg $0xFFFFFFFF  }
0xaa: {  	s25 =	simm.s32 $_size_execute0_lowered;
	s3 =	sadd.s32 s3, s5;
	[dreg:$0x0] =	wrdreg $0x0  }
0xab: {  	s5 =	sshll.u32 s25, $0x1;
	[dreg:$0x2] =	wrdreg s3  }
0xac: {  	[dreg:$0x3] =	wrdreg s5  }
0xad: {  	[dreg:$0x4] =	wrdreg $0xC0  }
0xae: {  	_ =	task [dreg:s7], $0x5FFFF  }
0xaf: {  	[dreg:$0x1] =	wrdreg $0xFFFFFFFF  }
0xb0: {  	[dreg:$0x0] =	wrdreg $0x60  }
0xb1: {  	[dreg:$0x2] =	wrdreg s22  }
0xb2: {  	[dreg:$0x3] =	wrdreg s13  }
0xb3: {  	[dreg:$0x4] =	wrdreg s14  }
0xb4: {  	[dreg:$0x5] =	wrdreg s15  }
0xb5: {  	[dreg:$0x6] =	wrdreg $0x2C800  }
0xb6: {  	[dreg:$0x7] =	wrdreg $0x9  }
0xb7: {  	_ =	task.clear_ibuf [dreg:s7], $0x8FFFF;
	_ =	strace $0x90000046  }
0xb8: {  	s26 =	simm.s32 $0x9;
	_ =	strace $0x80000048  }
0xb9: {  	_ =	swait.ge [sflag:s26], $0x1  }
0xba: {  	[sflag:s26] =	ssyncadd.s32 $0xFFFFFFFF  }
0xbb: {  	_ =	strace $0x90000048  }
0xbc: {  	_ =	sfence  }
0xbd: {  	s28 =	sld [smem:$0x0];
	_ =	sdelay $0x1  }
0xbe: {  	s29 =	srdreg.scid  }
0xbf: {  	s30 =	sshll.u32 s29, $0xD;
	s31 =	sshrl.u32 s29, $0x2  }
0xc0: {  	s1 =	sand.u32 $0x1, s29;
	s2 =	sand.u32 $0x4000, s30;
	s0 =	sadd.s32 s31, s28  }
0xc1: {  	s1 =	sor.u32 s2, s1;
	s0 =	sshll.u32 s0, $0x11  }
0xc2: {  	s0 =	sor.u32 s0, s1  }
0xc3: {  	s0 =	sadd.s32 $0x8F2B, s0  }
0xc4: {  	[sflag:s0] =	ssyncadd.remote.s32 $0x1  }
0xc5: {  	_ =	sfence.sel $0xFFFF  }
0xc6: {  	[dreg:$0x0] =	wrdreg $0xFFFFFFFF;
	(pc) =	sbr.abs _section_cstart, $3  }
0xc7: {  	[dreg:$0x1] =	wrdreg $0xFFFFFFFF  }
0xc8: {  	_ =	task.clear_ibuf [dreg:s7], $0x2FFFF;
	_ =	strace $0x9FFFFFFF  }
0xc9: {  	(tm) =	ssettm $0x7FFFFFFF  }
tec
execute0_lowered:
.L_overlay_start_1:
0x0: {  	(tag) =	ssettag $0x1  }
0x1: {  	s5 =	rddreg [dreg:$0x0]  }
0x2: {  	s6 =	rddreg [dreg:$0x1]  }
0x3: {  	s1 =	rddreg [dreg:$0x2]  }
0x4: {  	s2 =	rddreg [dreg:$0x3]  }
0x5: {  	s3 =	rddreg [dreg:$0x4];
	s4 =	stileid.u32  }
0x6: {  	s0 =	rddreg [dreg:$0x5];
	s7 =	simm.s32 $0x0;
	s8 =	sshll.u32 s4, $0xA  }
0x7: {  	[smem:$0x7FF] =	sst s7;
	s8 =	sadd.s32 s8, s5  }
0x8: {  	s9 =	sshll.u32 s4, $0x7;
	_ =	strace $0x80000047;
	s8 =	sadd.s32 $0x1A00, s8  }
0x9: {  	[tilespmem:s7], [sflag:$0x1] =	stream.linear.gather [hbm4b:s8+s7], $0x2000, $0x38;
	[tilespmem:$0x31C0] =	vst v63  }
0xa: {  	s19 =	simm.s32 $0x2000;
	s6 =	sadd.s32 s6, s9  }
0xb: {  	[tilespmem:s19], [sflag:$0x1] =	stream.linear.gather [hbm4b:s6+s7], $0x400, $0x38;
	[tilespmem:$0x31C0] =	vst v63  }
0xc: {  	s21 =	simm.s32 $0x1;
	s20 =	sadd.s32 $0x5A00, s5;
	s5 =	simm.s32 $0x2400  }
0xd: {  	[tilespmem:s5], [sflag:$0x1] =	stream.linear.gather [hbm4b:s20+s7], $0x800, $0x38;
	[tilespmem:$0x31C0] =	vst v63  }
0xe: {  	_ =	swait.ge [sflag:s21], $0x2000  }
0xf: {  	[sflag:s21] =	ssyncset.done $0x0  }
0x10: {  	[sflag:s21] =	ssyncadd.s32 $0xFFFFE000  }
0x11: {  	_ =	swait.ge [sflag:s21], $0x400  }
0x12: {  	[sflag:s21] =	ssyncset.done $0x0  }
0x13: {  	[sflag:s21] =	ssyncadd.s32 $0xFFFFFC00  }
0x14: {  	_ =	swait.ge [sflag:s21], $0x800  }
0x15: {  	[sflag:s21] =	ssyncset.done $0x0  }
0x16: {  	[sflag:s21] =	ssyncadd.s32 $0xFFFFF800  }
0x17: {  	v0 =	vld [tilespmem:$0x2000]  }
0x18: {  	v4 =	vld [tilespmem:$0x0]  }
0x19: {  	s22 =	simm.s32 $0x2010;
	v5 =	vld [tilespmem:$0x200]  }
0x1a: {  	v7 =	vld [tilespmem:s22+$0x0]  }
0x1b: {  	v8 =	vld [tilespmem:$0x80]  }
0x1c: {  	v9 =	vld [tilespmem:$0x280]  }
0x1d: {  	v10 =	vld [tilespmem:$0x100]  }
0x1e: {  	s23 =	simm.s32 $0x10;
	s24 =	simm.s32 $0x80;
	v11 =	vld [tilespmem:$0x300]  }
0x1f: {  	s25 =	sand.u32 $0x70, s23;
	s26 =	sand.u32 $0x1C00, s24;
	v13 =	vld [tilespmem:$0x180];
	v0 =	vshll.u32 v0, $0x7  }
0x20: {  	s8 =	sor.u32 s25, s26;
	s6 =	sor.u32 s24, s23;
	v14 =	vld [tilespmem:$0x380];
	v7 =	vshll.u32 v7, $0x7  }
0x21: {  	s6 =	sor.u32 $0x380, s6;
	v16 =	vld [tilespmem:s8+$0x180];
	v1 =	vor.u32 $0x1, v0  }
0x22: {  	s28 =	simm.s32 $0x2020;
	v19 =	vld [tilespmem:s6+$0x0];
	v2 =	vor.u32 $0x2, v0  }
0x23: {  	v20 =	vld [tilespmem:s28+$0x0];
	v6 =	vor.u32 $0x3, v0  }
0x24: {  	v12 =	vor.u32 $0x4, v7;
	v3 =	vld.idx.msk [tilespmem:v0+s5+$0x0], $0xffff  }
0x25: {  	v15 =	vor.u32 $0x1, v7;
	v18 =	vld.idx.msk [tilespmem:v7+s5+$0x0], $0xffff  }
0x26: {  	v17 =	vor.u32 $0x2, v7;
	v1 =	vld.idx.msk [tilespmem:v1+s5+$0x0], $0xffff  }
0x27: {  	v0 =	vor.u32 $0x4, v0;
	v2 =	vld.idx.msk [tilespmem:v2+s5+$0x0], $0xffff  }
0x28: {  	v7 =	vor.u32 $0x3, v7;
	v6 =	vld.idx.msk [tilespmem:v6+s5+$0x0], $0xffff  }
0x29: {  	v12 =	vld.idx.msk [tilespmem:v12+s5+$0x0], $0xffff  }
0x2a: {  	v15 =	vld.idx.msk [tilespmem:v15+s5+$0x0], $0xffff  }
0x2b: {  	v17 =	vld.idx.msk [tilespmem:v17+s5+$0x0], $0xffff  }
0x2c: {  	v0 =	vld.idx.msk [tilespmem:v0+s5+$0x0], $0xffff  }
0x2d: {  	v21 =	vld.idx.msk [tilespmem:v7+s5+$0x0], $0xffff  }
0x2e: {  	v4 =	vmul.f32 v4, v3;
	v7 =	vld [tilespmem:s8+$0x0];
	v1 =	vadd.f32 v5, v1  }
0x2f: {  	v5 =	vmul.f32 v8, v3;
	v2 =	vadd.f32 v9, v2;
	v9 =	vmul.f32 v13, v3;
	v13 =	vld [tilespmem:s8+$0x280]  }
0x30: {  	v8 =	vmul.f32 v10, v3;
	v10 =	vshll.u32 v20, $0x7;
	v1 =	vadd.f32 v1, v4;
	v4 =	vld [tilespmem:s8+$0x200]  }
0x31: {  	v62 =	vld [tilespmem:s8+$0x80];
	v6 =	vadd.f32 v11, v6;
	v11 =	vor.u32 $0x4, v10  }
0x32: {  	s29 =	simm.s32 $0x20;
	s6 =	simm.s32 $0x100;
	v12 =	vadd.f32 v19, v12;
	v63 =	vor.u32 $0x1, v10;
	v5 =	vadd.f32 v2, v5  }
0x33: {  	s30 =	sand.u32 $0x70, s29;
	v22 =	vld [tilespmem:s8+$0x300];
	s10 =	sand.u32 $0x1C00, s6;
	v0 =	vadd.f32 v14, v0;
	v14 =	vmul.f32 v16, v18;
	v2 =	vmul.f32 v1, v1  }
0x34: {  	s7 =	sor.u32 s30, s10;
	v16 =	vld [tilespmem:s8+$0x100];
	v1 =	vadd.f32 v6, v8;
	v3 =	vmul.f32 v5, v5;
	v13 =	vadd.f32 v13, v17  }
0x35: {  	v6 =	vld [tilespmem:s7+$0x180];
	v8 =	vmul.f32 v7, v18;
	v5 =	vadd.f32 v12, v14;
	v12 =	vadd.f32 v4, v15  }
0x36: {  	s31 =	sor.u32 s6, s29;
	v0 =	vadd.f32 v0, v9;
	v9 =	vor.u32 $0x2, v10;
	v7 =	vld.idx.msk [tilespmem:v11+s5+$0x0], $0xffff;
	v14 =	vmul.f32 v62, v18  }
0x37: {  	s8 =	sor.u32 $0x380, s31;
	v4 =	vld.idx.msk [tilespmem:v10+s5+$0x0], $0xffff;
	v10 =	vor.u32 $0x3, v10;
	v12 =	vadd.f32 v12, v8  }
0x38: {  	s9 =	simm.s32 $0x2030;
	v0 =	vmul.f32 v0, v0;
	v5 =	vmul.f32 v5, v5;
	v14 =	vadd.f32 v13, v14;
	v8 =	vld [tilespmem:s8+$0x0]  }
0x39: {  	v15 =	vld [tilespmem:s9+$0x0];
	v13 =	vadd.f32 v22, v21;
	v11 =	vmul.f32 v16, v18;
	v12 =	vmul.f32 v12, v12  }
0x3a: {  	s10 =	simm.s32 $0x40;
	v1 =	vmul.f32 v1, v1;
	s8 =	simm.s32 $0x30;
	v0 =	vadd.f32 v5, v0;
	v5 =	vld.idx.msk [tilespmem:v63+s5+$0x0], $0xffff  }
.LBB2_1:
0x3b: {  	p0 =	sne.s32 s10, $0x3F0;
	v16 =	vld.idx.msk [tilespmem:v9+s5+$0x0], $0xffff;
	v9 =	vmul.f32 v14, v14;
	v11 =	vadd.f32 v13, v11;
	v2 =	vadd.f32 v12, v2  }
0x3c: {  	v12 =	vmov v4;
	v13 =	vld.idx.msk [tilespmem:v10+s5+$0x0], $0xffff  }
0x3d: {  	v6 =	vmul.f32 v6, v12;
	v4 =	vld [tilespmem:s7+$0x0];
	v7 =	vadd.f32 v8, v7;
	v8 =	vmul.f32 v11, v11  }
0x3e: {  	v3 =	vadd.f32 v9, v3;
	v11 =	vld [tilespmem:s7+$0x200]  }
0x3f: {  	v14 =	vshll.u32 v15, $0x7;
	v15 =	vld [tilespmem:s7+$0x80];
	v6 =	vadd.f32 v7, v6;
	v1 =	vadd.f32 v8, v1  }
0x40: {  	s6 =	sadd.s32 $0x80, s6;
	v17 =	vor.u32 $0x1, v14;
	v9 =	vor.u32 $0x2, v14;
	v7 =	vor.u32 $0x4, v14;
	v8 =	vld [tilespmem:s7+$0x280]  }
0x41: {  	s11 =	sand.u32 $0x70, s8;
	s12 =	sand.u32 $0x1C00, s6;
	v10 =	vor.u32 $0x3, v14;
	v18 =	vld [tilespmem:s7+$0x100];
	v19 =	vmul.f32 v6, v6  }
0x42: {  	v20 =	vmul.f32 v4, v12;
	v21 =	vld [tilespmem:s7+$0x300];
	s7 =	sor.u32 s11, s12  }
0x43: {  	v6 =	vld [tilespmem:s7+$0x180];
	v5 =	vadd.f32 v11, v5;
	v0 =	vadd.f32 v19, v0  }
.Ltmp0:
0x44: {  	s11 =	sor.u32 s6, s8;
	s8 =	smov.u32 s10;
	v4 =	vld.idx.msk [tilespmem:v14+s5+$0x0], $0xffff;
	v14 =	vmul.f32 v15, v12;
	(pc) =	sbr.rel @p0 .LBB2_1-.Ltmp0, $4  }
0x45: {  	s11 =	sor.u32 $0x380, s11;
	v7 =	vld.idx.msk [tilespmem:v7+s5+$0x0], $0xffff;
	v15 =	vadd.f32 v5, v20;
	v16 =	vadd.f32 v8, v16  }
0x46: {  	v8 =	vld [tilespmem:s11+$0x0];
	v11 =	vmul.f32 v18, v12  }
0x47: {  	s9 =	sadd.s32 $0x10, s9;
	v5 =	vld.idx.msk [tilespmem:v17+s5+$0x0], $0xffff;
	v12 =	vmul.f32 v15, v15;
	v14 =	vadd.f32 v16, v14;
	v13 =	vadd.f32 v21, v13  }
0x48: {  	s10 =	sadd.s32 $0x10, s10;
	v15 =	vld [tilespmem:s9+$0x0]  }
0x49: {  	_ =	sdelay $0x3  }
0x4a: {  	v9 =	vld.idx.msk [tilespmem:v9+s5+$0x0], $0xffff  }
0x4b: {  	v10 =	vld.idx.msk [tilespmem:v10+s5+$0x0], $0xffff  }
0x4c: {  	v16 =	vld [tilespmem:s7+$0x0]  }
0x4d: {  	v17 =	vld [tilespmem:s7+$0x200]  }
0x4e: {  	v18 =	vld [tilespmem:s7+$0x80]  }
0x4f: {  	v20 =	vld [tilespmem:s7+$0x280];
	s6 =	sadd.s32 $0x80, s6  }
0x50: {  	s9 =	sand.u32 $0x70, s8;
	v22 =	vld [tilespmem:s7+$0x100];
	s10 =	sand.u32 $0x1C00, s6  }
0x51: {  	v24 =	vld [tilespmem:s7+$0x300];
	s9 =	sor.u32 s9, s10  }
0x52: {  	v26 =	vld [tilespmem:s9+$0x180]  }
0x53: {  	v27 =	vld [tilespmem:s9+$0x0]  }
0x54: {  	v45 =	vld [tilespmem:s9+$0x200];
	v15 =	vshll.u32 v15, $0x7  }
0x55: {  	v46 =	vld [tilespmem:s9+$0x80];
	v19 =	vor.u32 $0x4, v15  }
0x56: {  	v48 =	vld [tilespmem:s9+$0x280];
	v21 =	vor.u32 $0x1, v15  }
0x57: {  	v50 =	vld [tilespmem:s9+$0x100];
	v23 =	vor.u32 $0x2, v15  }
0x58: {  	v14 =	vmul.f32 v14, v14;
	v53 =	vld [tilespmem:s9+$0x300];
	v25 =	vor.u32 $0x3, v15  }
0x59: {  	v11 =	vadd.f32 v13, v11;
	v2 =	vadd.f32 v12, v2;
	v15 =	vld.idx.msk [tilespmem:v15+s5+$0x0], $0xffff  }
0x5a: {  	v6 =	vmul.f32 v6, v4;
	v7 =	vadd.f32 v8, v7;
	v3 =	vadd.f32 v14, v3;
	v19 =	vld.idx.msk [tilespmem:v19+s5+$0x0], $0xffff  }
0x5b: {  	v11 =	vmul.f32 v11, v11;
	v47 =	vmul.f32 v16, v4;
	v5 =	vadd.f32 v17, v5;
	v21 =	vld.idx.msk [tilespmem:v21+s5+$0x0], $0xffff  }
0x5c: {  	s29 =	sor.u32 s6, s8;
	v6 =	vadd.f32 v7, v6;
	v49 =	vmul.f32 v18, v4;
	v9 =	vadd.f32 v20, v9;
	v23 =	vld.idx.msk [tilespmem:v23+s5+$0x0], $0xffff  }
0x5d: {  	v51 =	vmul.f32 v22, v4;
	v52 =	vadd.f32 v24, v10;
	v5 =	vadd.f32 v5, v47;
	v25 =	vld.idx.msk [tilespmem:v25+s5+$0x0], $0xffff;
	s5 =	sor.u32 $0x380, s29  }
0x5e: {  	v1 =	vadd.f32 v11, v1;
	v9 =	vadd.f32 v9, v49;
	v54 =	vld [tilespmem:s5+$0x0]  }
0x5f: {  	v6 =	vmul.f32 v6, v6;
	v4 =	vadd.f32 v52, v51;
	v5 =	vmul.f32 v5, v5  }
0x60: {  	v55 =	vmul.f32 v9, v9;
	v56 =	vmul.f32 v27, v15;
	v8 =	vadd.f32 v45, v21  }
0x61: {  	v2 =	vadd.f32 v5, v2;
	v57 =	vmul.f32 v46, v15;
	v58 =	vadd.f32 v48, v23  }
0x62: {  	v59 =	vmul.f32 v50, v15;
	v10 =	vadd.f32 v53, v25;
	v8 =	vadd.f32 v8, v56  }
0x63: {  	v60 =	vmul.f32 v26, v15;
	v11 =	vadd.f32 v54, v19;
	v5 =	vadd.f32 v58, v57  }
0x64: {  	v4 =	vmul.f32 v4, v4;
	v9 =	vadd.f32 v10, v59;
	v8 =	vmul.f32 v8, v8  }
0x65: {  	v3 =	vadd.f32 v55, v3;
	v61 =	vadd.f32 v11, v60;
	v5 =	vmul.f32 v5, v5  }
0x66: {  	v1 =	vadd.f32 v4, v1;
	v62 =	vmul.f32 v9, v9;
	v2 =	vadd.f32 v8, v2  }
0x67: {  	v0 =	vadd.f32 v6, v0;
	v63 =	vmul.f32 v61, v61;
	v3 =	vadd.f32 v5, v3  }
0x68: {  	v1 =	vadd.f32 v62, v1;
	[tilespmem:$0x2C00] =	vst v2  }
0x69: {  	v0 =	vadd.f32 v63, v0;
	[tilespmem:$0x2C10] =	vst v3  }
0x6a: {  	s30 =	sshll.u32 s4, $0x6;
	[tilespmem:$0x2C20] =	vst v1  }
0x6b: {  	s31 =	simm.s32 $0x2C00;
	s5 =	sadd.s32 s30, s3;
	[tilespmem:$0x2C30] =	vst v0  }
0x6c: {  	[spmem:s5] =	stream.linear.scatter [tilespmem:s31], [sflag:$0x2], $0x40, $0x38;
	[tilespmem:$0x31C0] =	vst v63  }
0x6d: {  	s5 =	simm.s32 $0x2  }
0x6e: {  	_ =	swait.ge [sflag:s5], $0x40  }
0x6f: {  	[sflag:s5] =	ssyncset.done $0x0  }
0x70: {  	[sflag:s5] =	ssyncadd.s32 $0xFFFFFFC0  }
0x71: {  	p0 =	sne.s32 s4, $0x0;
	[bflag:$0x0] =	sbarrier.arrive $0xFFFF  }
0x72: {  	_ =	sfence.sel @p0 $0x180000  }
0x73: {  	[bflag:$0x0] =	sbarrier.arrive @p0 $0xFFFF  }
0x74: {  	_ =	strace @p0 $0x90000047  }
0x75: {  	[bflag:$0x2] =	sbarrier.arrive @p0 $0xFFFF  }
0x76: {  	_ =	shalt @p0  }
.LBB2_3:
0x77: {  	s4 =	simm.s32 $0x2CC0  }
0x78: {  	[tilespmem:s4], [sflag:$0x2] =	stream.linear.gather [spmem:s3], $0x400, $0x38;
	[tilespmem:$0x31C0] =	vst v63  }
0x79: {  	_ =	swait.ge [sflag:s5], $0x400  }
0x7a: {  	[sflag:s5] =	ssyncset.done $0x0  }
0x7b: {  	[sflag:s5] =	ssyncadd.s32 $0xFFFFFC00  }
0x7c: {  	v2 =	vld [tilespmem:$0x2CC0]  }
0x7d: {  	v3 =	vld [tilespmem:$0x2CD0]  }
0x7e: {  	v1 =	vld [tilespmem:$0x2CE0]  }
0x7f: {  	s31 =	simm.s32 $0x0;
	v0 =	vld [tilespmem:$0x2CF0]  }
0x80: {  	v4 =	vld [tilespmem:s31+$0x2D30]  }
0x81: {  	v5 =	vld [tilespmem:s31+$0x2D00]  }
0x82: {  	v6 =	vld [tilespmem:s31+$0x2D10]  }
0x83: {  	s3 =	simm.s32 $0x100;
	v7 =	vld [tilespmem:s31+$0x2D20]  }
.LBB2_4:
0x84: {  	p0 =	sne.s32 s3, $0xE00  }
.Ltmp1:
0x85: {  	s4 =	sshra.s32 s3, $0x2;
	s3 =	sadd.s32 $0x100, s3;
	v0 =	vadd.f32 v4, v0;
	(pc) =	sbr.rel @p0 .LBB2_4-.Ltmp1, $4  }
0x86: {  	v4 =	vld [tilespmem:s4+$0x2D30];
	v2 =	vadd.f32 v5, v2  }
0x87: {  	v5 =	vld [tilespmem:s4+$0x2D00];
	v3 =	vadd.f32 v6, v3  }
0x88: {  	v6 =	vld [tilespmem:s4+$0x2D10];
	v1 =	vadd.f32 v7, v1  }
0x89: {  	v7 =	vld [tilespmem:s4+$0x2D20]  }
0x8a: {  	_ =	sdelay $0x1  }
0x8b: {  	v2 =	vadd.f32 v5, v2  }
0x8c: {  	v3 =	vadd.f32 v6, v3  }
0x8d: {  	(xrf2) =	vadd.scan.msk.f32 $0xffff, v2  }
0x8e: {  	v1 =	vadd.f32 v7, v1;
	(xrf2) =	vadd.scan.msk.f32 $0xffff, v3;
	_ =	sdelay $0x1  }
0x8f: {  	v0 =	vadd.f32 v4, v0;
	(xrf2) =	vadd.scan.msk.f32 $0xffff, v1;
	_ =	sdelay $0x1  }
0x90: {  	(xrf2) =	vadd.scan.msk.f32 $0xffff, v0;
	_ =	sdelay $0x4  }
0x91: {  	v54, _, _ =	vpop (xrf2)  }
0x92: {  	v55, _, _ =	vpop (xrf2);
	(v2sf) =	vpush v54, $0xF  }
0x93: {  	(v2sf) =	vpush v55, $0xF  }
0x94: {  	v56, _, _ =	vpop (xrf2)  }
0x95: {  	(v2sf) =	vpush v56, $0xF  }
0x96: {  	v57, _, _ =	vpop (xrf2)  }
0x97: {  	(v2sf) =	vpush v57, $0xF;
	_ =	sdelay $0x9  }
0x98: {  	s3 =	spop (v2sf)  }
0x99: {  	s4 =	spop (v2sf);
	s3 =	smul.f32 $3.051757810e-05, s3  }
0x9a: {  	vm0 =	vcmask $0x300;
	v58 =	vimm.f32 $0.0e+00;
	vm1 =	vcmask $0x704;
	s4 =	smul.f32 $3.051757810e-05, s4  }
0x9b: {  	v59 =	vsel vm0, $0x3F800000, v58;
	v60 =	vsel vm1, $0x3F800000, v58;
	s5 =	spop (v2sf)  }
0x9c: {  	vm14 =	vcmask $0xB08;
	s5 =	smul.f32 $3.051757810e-05, s5;
	v1 =	vmul.f32 s3, v59;
	v2 =	vmul.f32 s4, v60;
	s3 =	sadd.f32 s4, s3  }
0x9d: {  	v61 =	vsel vm14, $0x3F800000, v58;
	s26 =	spop (v2sf)  }
0x9e: {  	vm15 =	vcmask $0xF0C;
	s4 =	smul.f32 $3.051757810e-05, s26;
	v62 =	vmul.f32 s5, v61;
	v1 =	vadd.f32 v2, v1;
	s3 =	sadd.f32 s5, s3  }
0x9f: {  	v0 =	vsel vm15, $0x3F800000, v58  }
0xa0: {  	v0 =	vmul.f32 s4, v0;
	v1 =	vadd.f32 v62, v1;
	s3 =	sadd.f32 s4, s3;
	_ =	sdelay $0x1  }
0xa1: {  	v0 =	vadd.f32 v0, v1;
	s3 =	smul.f32 $2.500000000e-01, s3;
	_ =	sdelay $0x1  }
0xa2: {  	[tilespmem:$0x3140] =	vst v0;
	v63 =	vmov s3  }
0xa3: {  	s28 =	simm.s32 $0x0;
	s29 =	simm.s32 $0x3140;
	s30 =	simm.s32 $0x2;
	[tilespmem:$0x30C0] =	vst v63  }
0xa4: {  	[hbm4b:s2+s28] =	stream.linear.scatter [tilespmem:s29], [sflag:$0x2], $0x80, $0x38;
	[tilespmem:$0x31C0] =	vst v63  }
0xa5: {  	_ =	swait.ge [sflag:s30], $0x80  }
0xa6: {  	[sflag:s30] =	ssyncset.done $0x0  }
0xa7: {  	s31 =	simm.s32 $0x30C0;
	[sflag:s30] =	ssyncadd.s32 $0xFFFFFF80  }
0xa8: {  	[hbm4b:s1+s28] =	stream.linear.scatter [tilespmem:s31], [sflag:$0x2], $0x80, $0x38;
	[tilespmem:$0x31C0] =	vst v63  }
0xa9: {  	_ =	swait.ge [sflag:s30], $0x80  }
0xaa: {  	[sflag:s30] =	ssyncset.done $0x0  }
0xab: {  	[sflag:s30] =	ssyncadd.s32 $0xFFFFFF80  }
0xac: {  	_ =	sfence.sel $0x180000  }
0xad: {  	[bflag:$0x0] =	sbarrier.arrive $0xFFFF  }
0xae: {  	_ =	strace $0x90000047  }
0xaf: {  	s0 =	sadd.s32 $0x100000, s0;
	[bflag:$0x2] =	sbarrier.arrive $0xFFFF  }
0xb0: {  	[sflag:s0] =	ssyncadd.tile.s32 $0x1;
	_ =	shalt  }
.Lfunc_end2:
_tile_overlayer_lowered:
.L_overlay_start_2:
0xb1: {  	(tag) =	ssettag $0x2  }
0xb2: {  	s0 =	rddreg [dreg:$0x0];
	s2 =	stileid.u32  }
0xb3: {  	s1 =	rddreg [dreg:$0x1];
	p0 =	sne.s32 s2, $0x0  }
0xb4: {  	s3 =	rddreg [dreg:$0x2];
	[bflag:$0x3] =	sbarrier.arrive $0xFFFF;
	s2 =	simm.s32 @!p0 $0x1C02  }
0xb5: {  	[timem:s3], [sflag:s2] =	dma.local @!p0 [hbm:s0], s1  }
0xb6: {  	s0 =	simm.s32 @!p0 $0x2  }
0xb7: {  	_ =	swait.ge @!p0 [sflag:s0], s1  }
0xb8: {  	s1 =	ssub.s32 @!p0 $0x0, s1;
	[sflag:s0] =	ssyncset.done @!p0 $0x0  }
0xb9: {  	[sflag:s0] =	ssyncadd.s32 @!p0 s1  }
0xba: {  	[bflag:$0x3] =	sbarrier.arrive $0xFFFF  }
0xbb: {  	_ =	shalt  }

</sc_bundles>
